<compile_context>
chip_gen: v7x
topology: tpu7x:2x2x1
jax: 0.10.2.dev20260603
libtpu: 0.0.44.dev20260713+nightly
codegen_flags: <defaults>
</compile_context>

<pallas_src>
import functools

import jax
import jax.numpy as jnp
from jax import lax
from jax.experimental import pallas as pl
from jax.experimental.pallas import tpu as pltpu
from jax.experimental.pallas import tpu_sc as plsc

N_NODES = 100000
N_EDGES = 3200000

NC = 2
NS = 16
NW = NC * NS
EPW = N_EDGES // NW
CHUNK = 2000
NCHUNK = EPW // CHUNK
NVEC = CHUNK // 16

SQRT3 = 3.0 ** 0.5
SQRT5 = 5.0 ** 0.5
SQRT15 = 15.0 ** 0.5


def _rsqrt(n2):
    i = plsc.bitcast(n2, jnp.int32)
    i = 0x5F3759DF - lax.shift_right_logical(i, 1)
    y = plsc.bitcast(i, jnp.float32)
    for _ in range(3):
        y = y * (1.5 - 0.5 * n2 * y * y)
    return y


def _make_sc_kernel():
    mesh = plsc.VectorSubcoreMesh(core_axis_name="c", subcore_axis_name="s")

    @functools.partial(
        pl.kernel,
        out_type=jax.ShapeDtypeStruct((N_EDGES * 9,), jnp.float32),
        mesh=mesh,
        compiler_params=pltpu.CompilerParams(needs_layout_passes=False),
        scratch_types=[
            pltpu.VMEM_SHARED((N_NODES,), jnp.float32),
            pltpu.VMEM_SHARED((N_NODES,), jnp.float32),
            pltpu.VMEM_SHARED((N_NODES,), jnp.float32),
            pltpu.VMEM((CHUNK,), jnp.int32),
            pltpu.VMEM((CHUNK,), jnp.int32),
            pltpu.VMEM((CHUNK,), jnp.float32),
            pltpu.VMEM((CHUNK,), jnp.float32),
            pltpu.VMEM((CHUNK,), jnp.float32),
            pltpu.VMEM((CHUNK,), jnp.float32),
            pltpu.VMEM((CHUNK,), jnp.float32),
            pltpu.VMEM((CHUNK,), jnp.float32),
            pltpu.VMEM((CHUNK * 3,), jnp.float32),
            pltpu.VMEM((CHUNK * 9,), jnp.float32),
            pltpu.VMEM((20000,), jnp.float32),
            pltpu.SemaphoreType.DMA,
        ],
    )
    def sh_kernel(pos_hbm, ei_hbm, shift_hbm, out_hbm,
                  posx_sp, posy_sp, posz_sp,
                  jv, iv, xj, yj, zj, xi, yi, zi, shift_v, out_v, bounce, sem):
        cid = lax.axis_index("c")
        sid = lax.axis_index("s")
        wid = sid * NC + cid
        base = wid * EPW

        PIECE = 20000
        NPIECE = N_NODES // PIECE

        @pl.when(sid == 0)
        def _stage_pos():
            for p, plane in enumerate((posx_sp, posy_sp, posz_sp)):
                def piece_body(t, _, p=p, plane=plane):
                    pltpu.sync_copy(
                        pos_hbm.at[pl.ds(p * N_NODES + t * PIECE, PIECE)], bounce)
                    pltpu.sync_copy(bounce, plane.at[pl.ds(t * PIECE, PIECE)])
                    return 0
                lax.fori_loop(0, NPIECE, piece_body, 0)

        plsc.subcore_barrier()

        iota16 = lax.broadcasted_iota(jnp.int32, (16,), 0)

        def chunk_body(k, _):
            b = base + k * CHUNK
            pltpu.sync_copy(ei_hbm.at[pl.ds(b, CHUNK)], jv)
            pltpu.sync_copy(ei_hbm.at[pl.ds(N_EDGES + b, CHUNK)], iv)
            cps = [
                pltpu.async_copy(posx_sp.at[jv], xj, sem),
                pltpu.async_copy(posy_sp.at[jv], yj, sem),
                pltpu.async_copy(posz_sp.at[jv], zj, sem),
                pltpu.async_copy(posx_sp.at[iv], xi, sem),
                pltpu.async_copy(posy_sp.at[iv], yi, sem),
                pltpu.async_copy(posz_sp.at[iv], zi, sem),
            ]
            pltpu.sync_copy(shift_hbm.at[pl.ds(b * 3, CHUNK * 3)], shift_v)
            for cp in cps:
                cp.wait()

            def vec_body(kk, _):
                e = kk * 16
                row = e + iota16
                r3 = row * 3
                vxj = xj[pl.ds(e, 16)]
                vyj = yj[pl.ds(e, 16)]
                vzj = zj[pl.ds(e, 16)]
                vxi = xi[pl.ds(e, 16)]
                vyi = yi[pl.ds(e, 16)]
                vzi = zi[pl.ds(e, 16)]
                sx = plsc.load_gather(shift_v, [r3])
                sy = plsc.load_gather(shift_v, [r3 + 1])
                sz = plsc.load_gather(shift_v, [r3 + 2])

                a0 = vxi + sx - vxj
                a1 = vyi + sy - vyj
                a2 = vzi + sz - vzj
                n2 = a0 * a0 + a1 * a1 + a2 * a2
                rn = _rsqrt(jnp.maximum(n2, 1e-24))
                x = a1 * rn
                y = a2 * rn
                z = a0 * rn

                x2 = x * x
                y2 = y * y
                z2 = z * z
                o1 = SQRT3 * x
                o2 = SQRT3 * y
                o3 = SQRT3 * z
                o4 = SQRT15 * x * z
                o5 = SQRT15 * x * y
                o6 = SQRT5 * (y2 - 0.5 * (x2 + z2))
                o7 = SQRT15 * y * z
                o8 = (SQRT15 / 2.0) * (z2 - x2)

                r9 = row * 9
                plsc.store_scatter(out_v, [r9], jnp.full((16,), 1.0, jnp.float32))
                plsc.store_scatter(out_v, [r9 + 1], o1)
                plsc.store_scatter(out_v, [r9 + 2], o2)
                plsc.store_scatter(out_v, [r9 + 3], o3)
                plsc.store_scatter(out_v, [r9 + 4], o4)
                plsc.store_scatter(out_v, [r9 + 5], o5)
                plsc.store_scatter(out_v, [r9 + 6], o6)
                plsc.store_scatter(out_v, [r9 + 7], o7)
                plsc.store_scatter(out_v, [r9 + 8], o8)
                return 0

            lax.fori_loop(0, NVEC, vec_body, 0)
            pltpu.sync_copy(out_v, out_hbm.at[pl.ds(b * 9, CHUNK * 9)])
            return 0

        lax.fori_loop(0, NCHUNK, chunk_body, 0)

    return sh_kernel


_sh_kernel = _make_sc_kernel()


@jax.jit
def kernel(pos, edge_index, nbr_shift):
    pos_planes = pos.T.reshape(3 * N_NODES)
    ei = edge_index.astype(jnp.int32).reshape(2 * N_EDGES)
    shift = nbr_shift.reshape(3 * N_EDGES)
    return _sh_kernel(pos_planes, ei, shift).reshape(N_EDGES, 9)

# --- scband reference (transcript-rebuilt; emitter-appended) ---
"""Pipeline reference for scband-spherical-harmonic-edge-attrs-69406671503711 (READ-ONLY COPY).

The authoritative reference and input builder live on the scoring server;
editing this copy changes nothing except your own understanding.
"""

import jax, jax.numpy as jnp
import numpy as np

N_NODES = 100000
N_EDGES = 3200000

SQRT3 = 3.0 ** 0.5
SQRT5 = 5.0 ** 0.5


def _normalize(v, eps=1e-12):
    # matches torch.nn.functional.normalize(v, dim=-1)
    n = jnp.linalg.norm(v, axis=-1, keepdims=True)
    return v / jnp.maximum(n, eps)


def _spherical_harmonics_lmax2_component(vec):
    # e3nn real spherical harmonics up to lmax=2, 'component' normalization:
    # raw polynomials are 'norm'-normalized on the unit sphere; multiply the
    # l-block by sqrt(2l+1) for 'component'.
    x = vec[:, 0]
    y = vec[:, 1]
    z = vec[:, 2]
    # l = 0
    sh0 = jnp.ones_like(x)[:, None]  # sqrt(1) * 1
    # l = 1: sqrt(3) * (x, y, z)
    sh1 = SQRT3 * jnp.stack([x, y, z], axis=-1)
    # l = 2 raw (e3nn _spherical_harmonics), then * sqrt(5)
    sh2_0 = SQRT3 * x * z
    sh2_1 = SQRT3 * x * y
    y2 = y * y
    x2z2 = x * x + z * z
    sh2_2 = y2 - 0.5 * x2z2
    sh2_3 = SQRT3 * y * z
    sh2_4 = (SQRT3 / 2.0) * (z * z - x * x)
    sh2 = SQRT5 * jnp.stack([sh2_0, sh2_1, sh2_2, sh2_3, sh2_4], axis=-1)
    return jnp.concatenate([sh0, sh1, sh2], axis=-1)  # [E, 9]


def setup_inputs(seed: int = 0) -> dict:
    key = jax.random.key(seed)
    k1, k2, k3 = jax.random.split(key, 3)
    pos = jax.random.normal(k1, (N_NODES, 3), dtype=jnp.float32) * 10.0
    edge_index = jax.random.randint(k2, (2, N_EDGES), 0, N_NODES)
    nbr_shift = jax.random.normal(k3, (N_EDGES, 3), dtype=jnp.float32) * 0.1
    return {"pos": pos, "edge_index": edge_index, "nbr_shift": nbr_shift}


def reference(pos, edge_index, nbr_shift):
    j = edge_index[0]
    i = edge_index[1]
    # gather endpoint positions per edge (memory-bound gather)
    edge_vec = pos[i] + nbr_shift - pos[j]
    edge_vec = _normalize(edge_vec)
    # coord_change = [1, 2, 0]
    v = edge_vec[:, jnp.array([1, 2, 0])]
    # edge_sh_normalize=True: normalize input to SH (idempotent here)
    v = _normalize(v)
    edge_sh = _spherical_harmonics_lmax2_component(v)
    return edge_sh

if __name__ == "__main__":
    import jax
    _d = setup_inputs()
    print(jax.jit(kernel)(*tuple(_d.values())))

</pallas_src>

<mosaic_0001>
#map = affine_map<(d0, d1) -> (0)>
module attributes {stable_mosaic.version = 14 : i64} {
  func.func @sh_kernel(%arg0: i32, %arg1: i32, %arg2: memref<300000xf32, #tpu.memory_space<hbm>>, %arg3: memref<6400000xi32, #tpu.memory_space<hbm>>, %arg4: memref<9600000xf32, #tpu.memory_space<hbm>>, %arg5: memref<28800000xf32, #tpu.memory_space<hbm>>, %arg6: memref<100000xf32, #tpu.memory_space<vmem_shared>>, %arg7: memref<100000xf32, #tpu.memory_space<vmem_shared>>, %arg8: memref<100000xf32, #tpu.memory_space<vmem_shared>>, %arg9: memref<2000xi32, #tpu.memory_space<vmem>>, %arg10: memref<2000xi32, #tpu.memory_space<vmem>>, %arg11: memref<2000xf32, #tpu.memory_space<vmem>>, %arg12: memref<2000xf32, #tpu.memory_space<vmem>>, %arg13: memref<2000xf32, #tpu.memory_space<vmem>>, %arg14: memref<2000xf32, #tpu.memory_space<vmem>>, %arg15: memref<2000xf32, #tpu.memory_space<vmem>>, %arg16: memref<2000xf32, #tpu.memory_space<vmem>>, %arg17: memref<6000xf32, #tpu.memory_space<vmem>>, %arg18: memref<18000xf32, #tpu.memory_space<vmem>>, %arg19: memref<20000xf32, #tpu.memory_space<vmem>>, %arg20: memref<!tpu.dma_semaphore, #tpu.memory_space<semaphore_mem>>) attributes {dimension_semantics = [#tpu.dimension_semantics<core_parallel>, #tpu.dimension_semantics<subcore_parallel>], iteration_bounds = array<i64: 2, 16>, scalar_prefetch = 0 : i64, scratch_operands = 15 : i64, tpu.core_type = #tpu.core_type<sc_vector_subcore>, window_params = [{transform_indices = #map}, {transform_indices = #map}, {transform_indices = #map}, {transform_indices = #map}]} {
    %mul3A = arith.constant 2 : i32
    %mul3A_0 = arith.muli %arg1, %mul3A : i32
    %add3A = arith.addi %mul3A_0, %arg0 : i32
    %mul3A_1 = arith.constant 100000 : i32
    %mul3A_2 = arith.muli %add3A, %mul3A_1 : i32
    %eq3A = arith.constant 0 : i32
    %eq3A_3 = arith.cmpi eq, %arg1, %eq3A : i32
    %convert_element_type3A = arith.extui %eq3A_3 : i1 to i32
    %cond3A = arith.constant 0 : i32
    %cond3A_4 = arith.cmpi ne, %convert_element_type3A, %cond3A : i32
    scf.if %cond3A_4 {
      %scan3A_11 = arith.constant 0 : i32
      %scan3A_12 = arith.constant 0 : i32
      %scan3A_13 = arith.constant 5 : i32
      %scan3A_14 = arith.addi %scan3A_12, %scan3A_13 : i32
      %scan3A_15 = arith.constant 1 : i32
      %scan3A_16 = scf.for %scan3A_32 = %scan3A_12 to %scan3A_14 step %scan3A_15 iter_args(%scan3A_33 = %scan3A_11) -> (i32)  : i32 {
        %mul3A_34 = arith.constant 20000 : i32
        %mul3A_35 = arith.muli %scan3A_32, %mul3A_34 : i32
        %add3A_36 = arith.constant 0 : i32
        %add3A_37 = arith.addi %add3A_36, %mul3A_35 : i32
        "tpu.region"() ({
          %run_scoped3A = tpu.sem_alloc : memref<!tpu.dma_semaphore, #tpu.memory_space<semaphore_mem>>
          %dma_start3A = tpu.memref_slice %arg2[%add3A_37] : memref<300000xf32, #tpu.memory_space<hbm>> -> memref<20000xf32, #tpu.memory_space<hbm>>
          %dma_start3A_41 = tpu.memref_slice %arg2[%add3A_37] : memref<300000xf32, #tpu.memory_space<hbm>> -> memref<20000xf32, #tpu.memory_space<hbm>>
          tpu.enqueue_dma source(%dma_start3A_41 : memref<20000xf32, #tpu.memory_space<hbm>>) target(%arg19 : memref<20000xf32, #tpu.memory_space<vmem>>) target_semaphore(%run_scoped3A : memref<!tpu.dma_semaphore, #tpu.memory_space<semaphore_mem>>)
          %dma_wait3A = tpu.memref_slice %arg2[%add3A_37] : memref<300000xf32, #tpu.memory_space<hbm>> -> memref<20000xf32, #tpu.memory_space<hbm>>
          %dma_wait3A_42 = tpu.memref_slice %arg2[%add3A_37] : memref<300000xf32, #tpu.memory_space<hbm>> -> memref<20000xf32, #tpu.memory_space<hbm>>
          tpu.wait_dma2 semaphore(%run_scoped3A : memref<!tpu.dma_semaphore, #tpu.memory_space<semaphore_mem>>) src(%dma_wait3A_42 : memref<20000xf32, #tpu.memory_space<hbm>>) dst(%arg19 : memref<20000xf32, #tpu.memory_space<vmem>>)
          tpu.yield
        }) : () -> ()
        %mul3A_38 = arith.constant 20000 : i32
        %mul3A_39 = arith.muli %scan3A_32, %mul3A_38 : i32
        "tpu.region"() ({
          %run_scoped3A = tpu.sem_alloc : memref<!tpu.dma_semaphore, #tpu.memory_space<semaphore_mem>>
          %dma_start3A = tpu.memref_slice %arg6[%mul3A_39] : memref<100000xf32, #tpu.memory_space<vmem_shared>> -> memref<20000xf32, #tpu.memory_space<vmem_shared>>
          %dma_start3A_41 = tpu.memref_slice %arg6[%mul3A_39] : memref<100000xf32, #tpu.memory_space<vmem_shared>> -> memref<20000xf32, #tpu.memory_space<vmem_shared>>
          tpu.enqueue_dma source(%arg19 : memref<20000xf32, #tpu.memory_space<vmem>>) target(%dma_start3A_41 : memref<20000xf32, #tpu.memory_space<vmem_shared>>) target_semaphore(%run_scoped3A : memref<!tpu.dma_semaphore, #tpu.memory_space<semaphore_mem>>)
          %dma_wait3A = tpu.memref_slice %arg6[%mul3A_39] : memref<100000xf32, #tpu.memory_space<vmem_shared>> -> memref<20000xf32, #tpu.memory_space<vmem_shared>>
          %dma_wait3A_42 = tpu.memref_slice %arg6[%mul3A_39] : memref<100000xf32, #tpu.memory_space<vmem_shared>> -> memref<20000xf32, #tpu.memory_space<vmem_shared>>
          tpu.wait_dma2 semaphore(%run_scoped3A : memref<!tpu.dma_semaphore, #tpu.memory_space<semaphore_mem>>) src(%arg19 : memref<20000xf32, #tpu.memory_space<vmem>>) dst(%dma_wait3A_42 : memref<20000xf32, #tpu.memory_space<vmem_shared>>)
          tpu.yield
        }) : () -> ()
        %scan3A_40 = arith.constant 0 : i32
        scf.yield %scan3A_40 : i32
      }
      %scan3A_17 = arith.constant 5 : i32
      %scan3A_18 = arith.constant 0 : i32
      %scan3A_19 = arith.constant 0 : i32
      %scan3A_20 = arith.constant 5 : i32
      %scan3A_21 = arith.addi %scan3A_19, %scan3A_20 : i32
      %scan3A_22 = arith.constant 1 : i32
      %scan3A_23 = scf.for %scan3A_32 = %scan3A_19 to %scan3A_21 step %scan3A_22 iter_args(%scan3A_33 = %scan3A_18) -> (i32)  : i32 {
        %mul3A_34 = arith.constant 20000 : i32
        %mul3A_35 = arith.muli %scan3A_32, %mul3A_34 : i32
        %add3A_36 = arith.constant 100000 : i32
        %add3A_37 = arith.addi %add3A_36, %mul3A_35 : i32
        "tpu.region"() ({
          %run_scoped3A = tpu.sem_alloc : memref<!tpu.dma_semaphore, #tpu.memory_space<semaphore_mem>>
          %dma_start3A = tpu.memref_slice %arg2[%add3A_37] : memref<300000xf32, #tpu.memory_space<hbm>> -> memref<20000xf32, #tpu.memory_space<hbm>>
          %dma_start3A_41 = tpu.memref_slice %arg2[%add3A_37] : memref<300000xf32, #tpu.memory_space<hbm>> -> memref<20000xf32, #tpu.memory_space<hbm>>
          tpu.enqueue_dma source(%dma_start3A_41 : memref<20000xf32, #tpu.memory_space<hbm>>) target(%arg19 : memref<20000xf32, #tpu.memory_space<vmem>>) target_semaphore(%run_scoped3A : memref<!tpu.dma_semaphore, #tpu.memory_space<semaphore_mem>>)
          %dma_wait3A = tpu.memref_slice %arg2[%add3A_37] : memref<300000xf32, #tpu.memory_space<hbm>> -> memref<20000xf32, #tpu.memory_space<hbm>>
          %dma_wait3A_42 = tpu.memref_slice %arg2[%add3A_37] : memref<300000xf32, #tpu.memory_space<hbm>> -> memref<20000xf32, #tpu.memory_space<hbm>>
          tpu.wait_dma2 semaphore(%run_scoped3A : memref<!tpu.dma_semaphore, #tpu.memory_space<semaphore_mem>>) src(%dma_wait3A_42 : memref<20000xf32, #tpu.memory_space<hbm>>) dst(%arg19 : memref<20000xf32, #tpu.memory_space<vmem>>)
          tpu.yield
        }) : () -> ()
        %mul3A_38 = arith.constant 20000 : i32
        %mul3A_39 = arith.muli %scan3A_32, %mul3A_38 : i32
        "tpu.region"() ({
          %run_scoped3A = tpu.sem_alloc : memref<!tpu.dma_semaphore, #tpu.memory_space<semaphore_mem>>
          %dma_start3A = tpu.memref_slice %arg7[%mul3A_39] : memref<100000xf32, #tpu.memory_space<vmem_shared>> -> memref<20000xf32, #tpu.memory_space<vmem_shared>>
          %dma_start3A_41 = tpu.memref_slice %arg7[%mul3A_39] : memref<100000xf32, #tpu.memory_space<vmem_shared>> -> memref<20000xf32, #tpu.memory_space<vmem_shared>>
          tpu.enqueue_dma source(%arg19 : memref<20000xf32, #tpu.memory_space<vmem>>) target(%dma_start3A_41 : memref<20000xf32, #tpu.memory_space<vmem_shared>>) target_semaphore(%run_scoped3A : memref<!tpu.dma_semaphore, #tpu.memory_space<semaphore_mem>>)
          %dma_wait3A = tpu.memref_slice %arg7[%mul3A_39] : memref<100000xf32, #tpu.memory_space<vmem_shared>> -> memref<20000xf32, #tpu.memory_space<vmem_shared>>
          %dma_wait3A_42 = tpu.memref_slice %arg7[%mul3A_39] : memref<100000xf32, #tpu.memory_space<vmem_shared>> -> memref<20000xf32, #tpu.memory_space<vmem_shared>>
          tpu.wait_dma2 semaphore(%run_scoped3A : memref<!tpu.dma_semaphore, #tpu.memory_space<semaphore_mem>>) src(%arg19 : memref<20000xf32, #tpu.memory_space<vmem>>) dst(%dma_wait3A_42 : memref<20000xf32, #tpu.memory_space<vmem_shared>>)
          tpu.yield
        }) : () -> ()
        %scan3A_40 = arith.constant 0 : i32
        scf.yield %scan3A_40 : i32
      }
      %scan3A_24 = arith.constant 5 : i32
      %scan3A_25 = arith.constant 0 : i32
      %scan3A_26 = arith.constant 0 : i32
      %scan3A_27 = arith.constant 5 : i32
      %scan3A_28 = arith.addi %scan3A_26, %scan3A_27 : i32
      %scan3A_29 = arith.constant 1 : i32
      %scan3A_30 = scf.for %scan3A_32 = %scan3A_26 to %scan3A_28 step %scan3A_29 iter_args(%scan3A_33 = %scan3A_25) -> (i32)  : i32 {
        %mul3A_34 = arith.constant 20000 : i32
        %mul3A_35 = arith.muli %scan3A_32, %mul3A_34 : i32
        %add3A_36 = arith.constant 200000 : i32
        %add3A_37 = arith.addi %add3A_36, %mul3A_35 : i32
        "tpu.region"() ({
          %run_scoped3A = tpu.sem_alloc : memref<!tpu.dma_semaphore, #tpu.memory_space<semaphore_mem>>
          %dma_start3A = tpu.memref_slice %arg2[%add3A_37] : memref<300000xf32, #tpu.memory_space<hbm>> -> memref<20000xf32, #tpu.memory_space<hbm>>
          %dma_start3A_41 = tpu.memref_slice %arg2[%add3A_37] : memref<300000xf32, #tpu.memory_space<hbm>> -> memref<20000xf32, #tpu.memory_space<hbm>>
          tpu.enqueue_dma source(%dma_start3A_41 : memref<20000xf32, #tpu.memory_space<hbm>>) target(%arg19 : memref<20000xf32, #tpu.memory_space<vmem>>) target_semaphore(%run_scoped3A : memref<!tpu.dma_semaphore, #tpu.memory_space<semaphore_mem>>)
          %dma_wait3A = tpu.memref_slice %arg2[%add3A_37] : memref<300000xf32, #tpu.memory_space<hbm>> -> memref<20000xf32, #tpu.memory_space<hbm>>
          %dma_wait3A_42 = tpu.memref_slice %arg2[%add3A_37] : memref<300000xf32, #tpu.memory_space<hbm>> -> memref<20000xf32, #tpu.memory_space<hbm>>
          tpu.wait_dma2 semaphore(%run_scoped3A : memref<!tpu.dma_semaphore, #tpu.memory_space<semaphore_mem>>) src(%dma_wait3A_42 : memref<20000xf32, #tpu.memory_space<hbm>>) dst(%arg19 : memref<20000xf32, #tpu.memory_space<vmem>>)
          tpu.yield
        }) : () -> ()
        %mul3A_38 = arith.constant 20000 : i32
        %mul3A_39 = arith.muli %scan3A_32, %mul3A_38 : i32
        "tpu.region"() ({
          %run_scoped3A = tpu.sem_alloc : memref<!tpu.dma_semaphore, #tpu.memory_space<semaphore_mem>>
          %dma_start3A = tpu.memref_slice %arg8[%mul3A_39] : memref<100000xf32, #tpu.memory_space<vmem_shared>> -> memref<20000xf32, #tpu.memory_space<vmem_shared>>
          %dma_start3A_41 = tpu.memref_slice %arg8[%mul3A_39] : memref<100000xf32, #tpu.memory_space<vmem_shared>> -> memref<20000xf32, #tpu.memory_space<vmem_shared>>
          tpu.enqueue_dma source(%arg19 : memref<20000xf32, #tpu.memory_space<vmem>>) target(%dma_start3A_41 : memref<20000xf32, #tpu.memory_space<vmem_shared>>) target_semaphore(%run_scoped3A : memref<!tpu.dma_semaphore, #tpu.memory_space<semaphore_mem>>)
          %dma_wait3A = tpu.memref_slice %arg8[%mul3A_39] : memref<100000xf32, #tpu.memory_space<vmem_shared>> -> memref<20000xf32, #tpu.memory_space<vmem_shared>>
          %dma_wait3A_42 = tpu.memref_slice %arg8[%mul3A_39] : memref<100000xf32, #tpu.memory_space<vmem_shared>> -> memref<20000xf32, #tpu.memory_space<vmem_shared>>
          tpu.wait_dma2 semaphore(%run_scoped3A : memref<!tpu.dma_semaphore, #tpu.memory_space<semaphore_mem>>) src(%arg19 : memref<20000xf32, #tpu.memory_space<vmem>>) dst(%dma_wait3A_42 : memref<20000xf32, #tpu.memory_space<vmem_shared>>)
          tpu.yield
        }) : () -> ()
        %scan3A_40 = arith.constant 0 : i32
        scf.yield %scan3A_40 : i32
      }
      %scan3A_31 = arith.constant 5 : i32
    } else {
    }
    %barrier3A = arith.constant 0 : index
    tpu.barrier barrier_id(%barrier3A)
    %iota3A = tpu.iota {dimensions = array<i32: 0>} : vector<16xi32>
    %scan3A = arith.constant 0 : i32
    %scan3A_5 = arith.constant 0 : i32
    %scan3A_6 = arith.constant 50 : i32
    %scan3A_7 = arith.addi %scan3A_5, %scan3A_6 : i32
    %scan3A_8 = arith.constant 1 : i32
    %scan3A_9 = scf.for %scan3A_11 = %scan3A_5 to %scan3A_7 step %scan3A_8 iter_args(%scan3A_12 = %scan3A) -> (i32)  : i32 {
      %mul3A_13 = arith.constant 2000 : i32
      %mul3A_14 = arith.muli %scan3A_11, %mul3A_13 : i32
      %add3A_15 = arith.addi %mul3A_2, %mul3A_14 : i32
      "tpu.region"() ({
        %run_scoped3A = tpu.sem_alloc : memref<!tpu.dma_semaphore, #tpu.memory_space<semaphore_mem>>
        %dma_start3A_52 = tpu.memref_slice %arg3[%add3A_15] : memref<6400000xi32, #tpu.memory_space<hbm>> -> memref<2000xi32, #tpu.memory_space<hbm>>
        %dma_start3A_53 = tpu.memref_slice %arg3[%add3A_15] : memref<6400000xi32, #tpu.memory_space<hbm>> -> memref<2000xi32, #tpu.memory_space<hbm>>
        tpu.enqueue_dma source(%dma_start3A_53 : memref<2000xi32, #tpu.memory_space<hbm>>) target(%arg9 : memref<2000xi32, #tpu.memory_space<vmem>>) target_semaphore(%run_scoped3A : memref<!tpu.dma_semaphore, #tpu.memory_space<semaphore_mem>>)
        %dma_wait3A_54 = tpu.memref_slice %arg3[%add3A_15] : memref<6400000xi32, #tpu.memory_space<hbm>> -> memref<2000xi32, #tpu.memory_space<hbm>>
        %dma_wait3A_55 = tpu.memref_slice %arg3[%add3A_15] : memref<6400000xi32, #tpu.memory_space<hbm>> -> memref<2000xi32, #tpu.memory_space<hbm>>
        tpu.wait_dma2 semaphore(%run_scoped3A : memref<!tpu.dma_semaphore, #tpu.memory_space<semaphore_mem>>) src(%dma_wait3A_55 : memref<2000xi32, #tpu.memory_space<hbm>>) dst(%arg9 : memref<2000xi32, #tpu.memory_space<vmem>>)
        tpu.yield
      }) : () -> ()
      %add3A_16 = arith.constant 3200000 : i32
      %add3A_17 = arith.addi %add3A_16, %add3A_15 : i32
      "tpu.region"() ({
        %run_scoped3A = tpu.sem_alloc : memref<!tpu.dma_semaphore, #tpu.memory_space<semaphore_mem>>
        %dma_start3A_52 = tpu.memref_slice %arg3[%add3A_17] : memref<6400000xi32, #tpu.memory_space<hbm>> -> memref<2000xi32, #tpu.memory_space<hbm>>
        %dma_start3A_53 = tpu.memref_slice %arg3[%add3A_17] : memref<6400000xi32, #tpu.memory_space<hbm>> -> memref<2000xi32, #tpu.memory_space<hbm>>
        tpu.enqueue_dma source(%dma_start3A_53 : memref<2000xi32, #tpu.memory_space<hbm>>) target(%arg10 : memref<2000xi32, #tpu.memory_space<vmem>>) target_semaphore(%run_scoped3A : memref<!tpu.dma_semaphore, #tpu.memory_space<semaphore_mem>>)
        %dma_wait3A_54 = tpu.memref_slice %arg3[%add3A_17] : memref<6400000xi32, #tpu.memory_space<hbm>> -> memref<2000xi32, #tpu.memory_space<hbm>>
        %dma_wait3A_55 = tpu.memref_slice %arg3[%add3A_17] : memref<6400000xi32, #tpu.memory_space<hbm>> -> memref<2000xi32, #tpu.memory_space<hbm>>
        tpu.wait_dma2 semaphore(%run_scoped3A : memref<!tpu.dma_semaphore, #tpu.memory_space<semaphore_mem>>) src(%dma_wait3A_55 : memref<2000xi32, #tpu.memory_space<hbm>>) dst(%arg10 : memref<2000xi32, #tpu.memory_space<vmem>>)
        tpu.yield
      }) : () -> ()
      %dma_start3A = arith.constant 0 : i32
      %dma_start3A_18 = tpu.memref_slice %arg6[%dma_start3A] : memref<100000xf32, #tpu.memory_space<vmem_shared>> -> memref<100000xf32, #tpu.memory_space<vmem_shared>>
      tpu.enqueue_indirect_dma source(%dma_start3A_18 : memref<100000xf32, #tpu.memory_space<vmem_shared>>) target(%arg11 : memref<2000xf32, #tpu.memory_space<vmem>>) offsets(%arg9 : memref<2000xi32, #tpu.memory_space<vmem>>) semaphore(%arg20 : memref<!tpu.dma_semaphore, #tpu.memory_space<semaphore_mem>>)
      %dma_start3A_19 = arith.constant 0 : i32
      %dma_start3A_20 = tpu.memref_slice %arg7[%dma_start3A_19] : memref<100000xf32, #tpu.memory_space<vmem_shared>> -> memref<100000xf32, #tpu.memory_space<vmem_shared>>
      tpu.enqueue_indirect_dma source(%dma_start3A_20 : memref<100000xf32, #tpu.memory_space<vmem_shared>>) target(%arg12 : memref<2000xf32, #tpu.memory_space<vmem>>) offsets(%arg9 : memref<2000xi32, #tpu.memory_space<vmem>>) semaphore(%arg20 : memref<!tpu.dma_semaphore, #tpu.memory_space<semaphore_mem>>)
      %dma_start3A_21 = arith.constant 0 : i32
      %dma_start3A_22 = tpu.memref_slice %arg8[%dma_start3A_21] : memref<100000xf32, #tpu.memory_space<vmem_shared>> -> memref<100000xf32, #tpu.memory_space<vmem_shared>>
      tpu.enqueue_indirect_dma source(%dma_start3A_22 : memref<100000xf32, #tpu.memory_space<vmem_shared>>) target(%arg13 : memref<2000xf32, #tpu.memory_space<vmem>>) offsets(%arg9 : memref<2000xi32, #tpu.memory_space<vmem>>) semaphore(%arg20 : memref<!tpu.dma_semaphore, #tpu.memory_space<semaphore_mem>>)
      %dma_start3A_23 = arith.constant 0 : i32
      %dma_start3A_24 = tpu.memref_slice %arg6[%dma_start3A_23] : memref<100000xf32, #tpu.memory_space<vmem_shared>> -> memref<100000xf32, #tpu.memory_space<vmem_shared>>
      tpu.enqueue_indirect_dma source(%dma_start3A_24 : memref<100000xf32, #tpu.memory_space<vmem_shared>>) target(%arg14 : memref<2000xf32, #tpu.memory_space<vmem>>) offsets(%arg10 : memref<2000xi32, #tpu.memory_space<vmem>>) semaphore(%arg20 : memref<!tpu.dma_semaphore, #tpu.memory_space<semaphore_mem>>)
      %dma_start3A_25 = arith.constant 0 : i32
      %dma_start3A_26 = tpu.memref_slice %arg7[%dma_start3A_25] : memref<100000xf32, #tpu.memory_space<vmem_shared>> -> memref<100000xf32, #tpu.memory_space<vmem_shared>>
      tpu.enqueue_indirect_dma source(%dma_start3A_26 : memref<100000xf32, #tpu.memory_space<vmem_shared>>) target(%arg15 : memref<2000xf32, #tpu.memory_space<vmem>>) offsets(%arg10 : memref<2000xi32, #tpu.memory_space<vmem>>) semaphore(%arg20 : memref<!tpu.dma_semaphore, #tpu.memory_space<semaphore_mem>>)
      %dma_start3A_27 = arith.constant 0 : i32
      %dma_start3A_28 = tpu.memref_slice %arg8[%dma_start3A_27] : memref<100000xf32, #tpu.memory_space<vmem_shared>> -> memref<100000xf32, #tpu.memory_space<vmem_shared>>
      tpu.enqueue_indirect_dma source(%dma_start3A_28 : memref<100000xf32, #tpu.memory_space<vmem_shared>>) target(%arg16 : memref<2000xf32, #tpu.memory_space<vmem>>) offsets(%arg10 : memref<2000xi32, #tpu.memory_space<vmem>>) semaphore(%arg20 : memref<!tpu.dma_semaphore, #tpu.memory_space<semaphore_mem>>)
      %mul3A_29 = arith.constant 3 : i32
      %mul3A_30 = arith.muli %add3A_15, %mul3A_29 : i32
      "tpu.region"() ({
        %run_scoped3A = tpu.sem_alloc : memref<!tpu.dma_semaphore, #tpu.memory_space<semaphore_mem>>
        %dma_start3A_52 = tpu.memref_slice %arg4[%mul3A_30] : memref<9600000xf32, #tpu.memory_space<hbm>> -> memref<6000xf32, #tpu.memory_space<hbm>>
        %dma_start3A_53 = tpu.memref_slice %arg4[%mul3A_30] : memref<9600000xf32, #tpu.memory_space<hbm>> -> memref<6000xf32, #tpu.memory_space<hbm>>
        tpu.enqueue_dma source(%dma_start3A_53 : memref<6000xf32, #tpu.memory_space<hbm>>) target(%arg17 : memref<6000xf32, #tpu.memory_space<vmem>>) target_semaphore(%run_scoped3A : memref<!tpu.dma_semaphore, #tpu.memory_space<semaphore_mem>>)
        %dma_wait3A_54 = tpu.memref_slice %arg4[%mul3A_30] : memref<9600000xf32, #tpu.memory_space<hbm>> -> memref<6000xf32, #tpu.memory_space<hbm>>
        %dma_wait3A_55 = tpu.memref_slice %arg4[%mul3A_30] : memref<9600000xf32, #tpu.memory_space<hbm>> -> memref<6000xf32, #tpu.memory_space<hbm>>
        tpu.wait_dma2 semaphore(%run_scoped3A : memref<!tpu.dma_semaphore, #tpu.memory_space<semaphore_mem>>) src(%dma_wait3A_55 : memref<6000xf32, #tpu.memory_space<hbm>>) dst(%arg17 : memref<6000xf32, #tpu.memory_space<vmem>>)
        tpu.yield
      }) : () -> ()
      %dma_wait3A = arith.constant 0 : i32
      %dma_wait3A_31 = tpu.memref_slice %arg6[%dma_wait3A] : memref<100000xf32, #tpu.memory_space<vmem_shared>> -> memref<100000xf32, #tpu.memory_space<vmem_shared>>
      tpu.wait_indirect_dma semaphore(%arg20 : memref<!tpu.dma_semaphore, #tpu.memory_space<semaphore_mem>>) src(%dma_wait3A_31 : memref<100000xf32, #tpu.memory_space<vmem_shared>>) dst(%arg11 : memref<2000xf32, #tpu.memory_space<vmem>>)
      %dma_wait3A_32 = arith.constant 0 : i32
      %dma_wait3A_33 = tpu.memref_slice %arg7[%dma_wait3A_32] : memref<100000xf32, #tpu.memory_space<vmem_shared>> -> memref<100000xf32, #tpu.memory_space<vmem_shared>>
      tpu.wait_indirect_dma semaphore(%arg20 : memref<!tpu.dma_semaphore, #tpu.memory_space<semaphore_mem>>) src(%dma_wait3A_33 : memref<100000xf32, #tpu.memory_space<vmem_shared>>) dst(%arg12 : memref<2000xf32, #tpu.memory_space<vmem>>)
      %dma_wait3A_34 = arith.constant 0 : i32
      %dma_wait3A_35 = tpu.memref_slice %arg8[%dma_wait3A_34] : memref<100000xf32, #tpu.memory_space<vmem_shared>> -> memref<100000xf32, #tpu.memory_space<vmem_shared>>
      tpu.wait_indirect_dma semaphore(%arg20 : memref<!tpu.dma_semaphore, #tpu.memory_space<semaphore_mem>>) src(%dma_wait3A_35 : memref<100000xf32, #tpu.memory_space<vmem_shared>>) dst(%arg13 : memref<2000xf32, #tpu.memory_space<vmem>>)
      %dma_wait3A_36 = arith.constant 0 : i32
      %dma_wait3A_37 = tpu.memref_slice %arg6[%dma_wait3A_36] : memref<100000xf32, #tpu.memory_space<vmem_shared>> -> memref<100000xf32, #tpu.memory_space<vmem_shared>>
      tpu.wait_indirect_dma semaphore(%arg20 : memref<!tpu.dma_semaphore, #tpu.memory_space<semaphore_mem>>) src(%dma_wait3A_37 : memref<100000xf32, #tpu.memory_space<vmem_shared>>) dst(%arg14 : memref<2000xf32, #tpu.memory_space<vmem>>)
      %dma_wait3A_38 = arith.constant 0 : i32
      %dma_wait3A_39 = tpu.memref_slice %arg7[%dma_wait3A_38] : memref<100000xf32, #tpu.memory_space<vmem_shared>> -> memref<100000xf32, #tpu.memory_space<vmem_shared>>
      tpu.wait_indirect_dma semaphore(%arg20 : memref<!tpu.dma_semaphore, #tpu.memory_space<semaphore_mem>>) src(%dma_wait3A_39 : memref<100000xf32, #tpu.memory_space<vmem_shared>>) dst(%arg15 : memref<2000xf32, #tpu.memory_space<vmem>>)
      %dma_wait3A_40 = arith.constant 0 : i32
      %dma_wait3A_41 = tpu.memref_slice %arg8[%dma_wait3A_40] : memref<100000xf32, #tpu.memory_space<vmem_shared>> -> memref<100000xf32, #tpu.memory_space<vmem_shared>>
      tpu.wait_indirect_dma semaphore(%arg20 : memref<!tpu.dma_semaphore, #tpu.memory_space<semaphore_mem>>) src(%dma_wait3A_41 : memref<100000xf32, #tpu.memory_space<vmem_shared>>) dst(%arg16 : memref<2000xf32, #tpu.memory_space<vmem>>)
      %scan3A_42 = arith.constant 0 : i32
      %scan3A_43 = arith.constant 0 : i32
      %scan3A_44 = arith.constant 125 : i32
      %scan3A_45 = arith.addi %scan3A_43, %scan3A_44 : i32
      %scan3A_46 = arith.constant 1 : i32
      %scan3A_47 = scf.for %scan3A_52 = %scan3A_43 to %scan3A_45 step %scan3A_46 iter_args(%scan3A_53 = %scan3A_42) -> (i32)  : i32 {
        %mul3A_54 = arith.constant 16 : i32
        %mul3A_55 = arith.muli %scan3A_52, %mul3A_54 : i32
        %add3A_56 = vector.broadcast %mul3A_55 : i32 to vector<16xi32>
        %add3A_57 = arith.addi %add3A_56, %iota3A : vector<16xi32>
        %mul3A_58 = arith.constant 3 : i32
        %mul3A_59 = vector.broadcast %mul3A_58 : i32 to vector<16xi32>
        %mul3A_60 = arith.muli %add3A_57, %mul3A_59 : vector<16xi32>
        %get3A = arith.index_cast %mul3A_55 : i32 to index
        %get3A_61 = tpu.vector_load %arg11[%get3A] {strides = array<i32>} : memref<2000xf32, #tpu.memory_space<vmem>>, vector<16xf32>,
        %get3A_62 = arith.index_cast %mul3A_55 : i32 to index
        %get3A_63 = tpu.vector_load %arg12[%get3A_62] {strides = array<i32>} : memref<2000xf32, #tpu.memory_space<vmem>>, vector<16xf32>,
        %get3A_64 = arith.index_cast %mul3A_55 : i32 to index
        %get3A_65 = tpu.vector_load %arg13[%get3A_64] {strides = array<i32>} : memref<2000xf32, #tpu.memory_space<vmem>>, vector<16xf32>,
        %get3A_66 = arith.index_cast %mul3A_55 : i32 to index
        %get3A_67 = tpu.vector_load %arg14[%get3A_66] {strides = array<i32>} : memref<2000xf32, #tpu.memory_space<vmem>>, vector<16xf32>,
        %get3A_68 = arith.index_cast %mul3A_55 : i32 to index
        %get3A_69 = tpu.vector_load %arg15[%get3A_68] {strides = array<i32>} : memref<2000xf32, #tpu.memory_space<vmem>>, vector<16xf32>,
        %get3A_70 = arith.index_cast %mul3A_55 : i32 to index
        %get3A_71 = tpu.vector_load %arg16[%get3A_70] {strides = array<i32>} : memref<2000xf32, #tpu.memory_space<vmem>>, vector<16xf32>,
        %gather3A = tpu.vector_load_idx %arg17[%mul3A_60] : memref<6000xf32, #tpu.memory_space<vmem>>[vector<16xi32>], vector<16xf32>,
        %add3A_72 = arith.constant 1 : i32
        %add3A_73 = vector.broadcast %add3A_72 : i32 to vector<16xi32>
        %add3A_74 = arith.addi %mul3A_60, %add3A_73 : vector<16xi32>
        %gather3A_75 = tpu.vector_load_idx %arg17[%add3A_74] : memref<6000xf32, #tpu.memory_space<vmem>>[vector<16xi32>], vector<16xf32>,
        %add3A_76 = arith.constant 2 : i32
        %add3A_77 = vector.broadcast %add3A_76 : i32 to vector<16xi32>
        %add3A_78 = arith.addi %mul3A_60, %add3A_77 : vector<16xi32>
        %gather3A_79 = tpu.vector_load_idx %arg17[%add3A_78] : memref<6000xf32, #tpu.memory_space<vmem>>[vector<16xi32>], vector<16xf32>,
        %add3A_80 = arith.addf %get3A_67, %gather3A : vector<16xf32>
        %sub3A = arith.subf %add3A_80, %get3A_61 : vector<16xf32>
        %add3A_81 = arith.addf %get3A_69, %gather3A_75 : vector<16xf32>
        %sub3A_82 = arith.subf %add3A_81, %get3A_63 : vector<16xf32>
        %add3A_83 = arith.addf %get3A_71, %gather3A_79 : vector<16xf32>
        %sub3A_84 = arith.subf %add3A_83, %get3A_65 : vector<16xf32>
        %mul3A_85 = arith.mulf %sub3A, %sub3A : vector<16xf32>
        %mul3A_86 = arith.mulf %sub3A_82, %sub3A_82 : vector<16xf32>
        %add3A_87 = arith.addf %mul3A_85, %mul3A_86 : vector<16xf32>
        %mul3A_88 = arith.mulf %sub3A_84, %sub3A_84 : vector<16xf32>
        %add3A_89 = arith.addf %add3A_87, %mul3A_88 : vector<16xf32>
        %max3A = arith.constant 1.000000e-24 : f32
        %max3A_90 = vector.broadcast %max3A : f32 to vector<16xf32>
        %max3A_91 = arith.maximumf %add3A_89, %max3A_90 : vector<16xf32>
        %bitcast3A = vector.bitcast %max3A_91 : vector<16xf32> to vector<16xi32>
        %shift_right_logical3A = arith.constant 1 : i32
        %shift_right_logical3A_92 = vector.broadcast %shift_right_logical3A : i32 to vector<16xi32>
        %shift_right_logical3A_93 = arith.shrui %bitcast3A, %shift_right_logical3A_92 : vector<16xi32>
        %sub3A_94 = arith.constant 1597463007 : i32
        %sub3A_95 = vector.broadcast %sub3A_94 : i32 to vector<16xi32>
        %sub3A_96 = arith.subi %sub3A_95, %shift_right_logical3A_93 : vector<16xi32>
        %bitcast3A_97 = vector.bitcast %sub3A_96 : vector<16xi32> to vector<16xf32>
        %mul3A_98 = arith.constant 5.000000e-01 : f32
        %mul3A_99 = vector.broadcast %mul3A_98 : f32 to vector<16xf32>
        %mul3A_100 = arith.mulf %mul3A_99, %max3A_91 : vector<16xf32>
        %mul3A_101 = arith.mulf %mul3A_100, %bitcast3A_97 : vector<16xf32>
        %mul3A_102 = arith.mulf %mul3A_101, %bitcast3A_97 : vector<16xf32>
        %sub3A_103 = arith.constant 1.500000e+00 : f32
        %sub3A_104 = vector.broadcast %sub3A_103 : f32 to vector<16xf32>
        %sub3A_105 = arith.subf %sub3A_104, %mul3A_102 : vector<16xf32>
        %mul3A_106 = arith.mulf %bitcast3A_97, %sub3A_105 : vector<16xf32>
        %mul3A_107 = arith.constant 5.000000e-01 : f32
        %mul3A_108 = vector.broadcast %mul3A_107 : f32 to vector<16xf32>
        %mul3A_109 = arith.mulf %mul3A_108, %max3A_91 : vector<16xf32>
        %mul3A_110 = arith.mulf %mul3A_109, %mul3A_106 : vector<16xf32>
        %mul3A_111 = arith.mulf %mul3A_110, %mul3A_106 : vector<16xf32>
        %sub3A_112 = arith.constant 1.500000e+00 : f32
        %sub3A_113 = vector.broadcast %sub3A_112 : f32 to vector<16xf32>
        %sub3A_114 = arith.subf %sub3A_113, %mul3A_111 : vector<16xf32>
        %mul3A_115 = arith.mulf %mul3A_106, %sub3A_114 : vector<16xf32>
        %mul3A_116 = arith.constant 5.000000e-01 : f32
        %mul3A_117 = vector.broadcast %mul3A_116 : f32 to vector<16xf32>
        %mul3A_118 = arith.mulf %mul3A_117, %max3A_91 : vector<16xf32>
        %mul3A_119 = arith.mulf %mul3A_118, %mul3A_115 : vector<16xf32>
        %mul3A_120 = arith.mulf %mul3A_119, %mul3A_115 : vector<16xf32>
        %sub3A_121 = arith.constant 1.500000e+00 : f32
        %sub3A_122 = vector.broadcast %sub3A_121 : f32 to vector<16xf32>
        %sub3A_123 = arith.subf %sub3A_122, %mul3A_120 : vector<16xf32>
        %mul3A_124 = arith.mulf %mul3A_115, %sub3A_123 : vector<16xf32>
        %mul3A_125 = arith.mulf %sub3A_82, %mul3A_124 : vector<16xf32>
        %mul3A_126 = arith.mulf %sub3A_84, %mul3A_124 : vector<16xf32>
        %mul3A_127 = arith.mulf %sub3A, %mul3A_124 : vector<16xf32>
        %mul3A_128 = arith.mulf %mul3A_125, %mul3A_125 : vector<16xf32>
        %mul3A_129 = arith.mulf %mul3A_126, %mul3A_126 : vector<16xf32>
        %mul3A_130 = arith.mulf %mul3A_127, %mul3A_127 : vector<16xf32>
        %mul3A_131 = arith.constant 1.73205078 : f32
        %mul3A_132 = vector.broadcast %mul3A_131 : f32 to vector<16xf32>
        %mul3A_133 = arith.mulf %mul3A_132, %mul3A_125 : vector<16xf32>
        %mul3A_134 = arith.constant 1.73205078 : f32
        %mul3A_135 = vector.broadcast %mul3A_134 : f32 to vector<16xf32>
        %mul3A_136 = arith.mulf %mul3A_135, %mul3A_126 : vector<16xf32>
        %mul3A_137 = arith.constant 1.73205078 : f32
        %mul3A_138 = vector.broadcast %mul3A_137 : f32 to vector<16xf32>
        %mul3A_139 = arith.mulf %mul3A_138, %mul3A_127 : vector<16xf32>
        %mul3A_140 = arith.constant 3.87298346 : f32
        %mul3A_141 = vector.broadcast %mul3A_140 : f32 to vector<16xf32>
        %mul3A_142 = arith.mulf %mul3A_141, %mul3A_125 : vector<16xf32>
        %mul3A_143 = arith.mulf %mul3A_142, %mul3A_127 : vector<16xf32>
        %mul3A_144 = arith.constant 3.87298346 : f32
        %mul3A_145 = vector.broadcast %mul3A_144 : f32 to vector<16xf32>
        %mul3A_146 = arith.mulf %mul3A_145, %mul3A_125 : vector<16xf32>
        %mul3A_147 = arith.mulf %mul3A_146, %mul3A_126 : vector<16xf32>
        %add3A_148 = arith.addf %mul3A_128, %mul3A_130 : vector<16xf32>
        %mul3A_149 = arith.constant 5.000000e-01 : f32
        %mul3A_150 = vector.broadcast %mul3A_149 : f32 to vector<16xf32>
        %mul3A_151 = arith.mulf %mul3A_150, %add3A_148 : vector<16xf32>
        %sub3A_152 = arith.subf %mul3A_129, %mul3A_151 : vector<16xf32>
        %mul3A_153 = arith.constant 2.23606801 : f32
        %mul3A_154 = vector.broadcast %mul3A_153 : f32 to vector<16xf32>
        %mul3A_155 = arith.mulf %mul3A_154, %sub3A_152 : vector<16xf32>
        %mul3A_156 = arith.constant 3.87298346 : f32
        %mul3A_157 = vector.broadcast %mul3A_156 : f32 to vector<16xf32>
        %mul3A_158 = arith.mulf %mul3A_157, %mul3A_126 : vector<16xf32>
        %mul3A_159 = arith.mulf %mul3A_158, %mul3A_127 : vector<16xf32>
        %sub3A_160 = arith.subf %mul3A_130, %mul3A_128 : vector<16xf32>
        %mul3A_161 = arith.constant 1.93649173 : f32
        %mul3A_162 = vector.broadcast %mul3A_161 : f32 to vector<16xf32>
        %mul3A_163 = arith.mulf %mul3A_162, %sub3A_160 : vector<16xf32>
        %mul3A_164 = arith.constant 9 : i32
        %mul3A_165 = vector.broadcast %mul3A_164 : i32 to vector<16xi32>
        %mul3A_166 = arith.muli %add3A_57, %mul3A_165 : vector<16xi32>
        %broadcast_in_dim3A = arith.constant 1.000000e+00 : f32
        %broadcast_in_dim3A_167 = vector.broadcast %broadcast_in_dim3A : f32 to vector<16xf32>
        tpu.vector_store_idx %arg18[%mul3A_166], %broadcast_in_dim3A_167 : memref<18000xf32, #tpu.memory_space<vmem>>[vector<16xi32>], vector<16xf32>,
        %add3A_168 = arith.constant 1 : i32
        %add3A_169 = vector.broadcast %add3A_168 : i32 to vector<16xi32>
        %add3A_170 = arith.addi %mul3A_166, %add3A_169 : vector<16xi32>
        tpu.vector_store_idx %arg18[%add3A_170], %mul3A_133 : memref<18000xf32, #tpu.memory_space<vmem>>[vector<16xi32>], vector<16xf32>,
        %add3A_171 = arith.constant 2 : i32
        %add3A_172 = vector.broadcast %add3A_171 : i32 to vector<16xi32>
        %add3A_173 = arith.addi %mul3A_166, %add3A_172 : vector<16xi32>
        tpu.vector_store_idx %arg18[%add3A_173], %mul3A_136 : memref<18000xf32, #tpu.memory_space<vmem>>[vector<16xi32>], vector<16xf32>,
        %add3A_174 = arith.constant 3 : i32
        %add3A_175 = vector.broadcast %add3A_174 : i32 to vector<16xi32>
        %add3A_176 = arith.addi %mul3A_166, %add3A_175 : vector<16xi32>
        tpu.vector_store_idx %arg18[%add3A_176], %mul3A_139 : memref<18000xf32, #tpu.memory_space<vmem>>[vector<16xi32>], vector<16xf32>,
        %add3A_177 = arith.constant 4 : i32
        %add3A_178 = vector.broadcast %add3A_177 : i32 to vector<16xi32>
        %add3A_179 = arith.addi %mul3A_166, %add3A_178 : vector<16xi32>
        tpu.vector_store_idx %arg18[%add3A_179], %mul3A_143 : memref<18000xf32, #tpu.memory_space<vmem>>[vector<16xi32>], vector<16xf32>,
        %add3A_180 = arith.constant 5 : i32
        %add3A_181 = vector.broadcast %add3A_180 : i32 to vector<16xi32>
        %add3A_182 = arith.addi %mul3A_166, %add3A_181 : vector<16xi32>
        tpu.vector_store_idx %arg18[%add3A_182], %mul3A_147 : memref<18000xf32, #tpu.memory_space<vmem>>[vector<16xi32>], vector<16xf32>,
        %add3A_183 = arith.constant 6 : i32
        %add3A_184 = vector.broadcast %add3A_183 : i32 to vector<16xi32>
        %add3A_185 = arith.addi %mul3A_166, %add3A_184 : vector<16xi32>
        tpu.vector_store_idx %arg18[%add3A_185], %mul3A_155 : memref<18000xf32, #tpu.memory_space<vmem>>[vector<16xi32>], vector<16xf32>,
        %add3A_186 = arith.constant 7 : i32
        %add3A_187 = vector.broadcast %add3A_186 : i32 to vector<16xi32>
        %add3A_188 = arith.addi %mul3A_166, %add3A_187 : vector<16xi32>
        tpu.vector_store_idx %arg18[%add3A_188], %mul3A_159 : memref<18000xf32, #tpu.memory_space<vmem>>[vector<16xi32>], vector<16xf32>,
        %add3A_189 = arith.constant 8 : i32
        %add3A_190 = vector.broadcast %add3A_189 : i32 to vector<16xi32>
        %add3A_191 = arith.addi %mul3A_166, %add3A_190 : vector<16xi32>
        tpu.vector_store_idx %arg18[%add3A_191], %mul3A_163 : memref<18000xf32, #tpu.memory_space<vmem>>[vector<16xi32>], vector<16xf32>,
        %scan3A_192 = arith.constant 0 : i32
        scf.yield %scan3A_192 : i32
      }
      %scan3A_48 = arith.constant 125 : i32
      %mul3A_49 = arith.constant 9 : i32
      %mul3A_50 = arith.muli %add3A_15, %mul3A_49 : i32
      "tpu.region"() ({
        %run_scoped3A = tpu.sem_alloc : memref<!tpu.dma_semaphore, #tpu.memory_space<semaphore_mem>>
        %dma_start3A_52 = tpu.memref_slice %arg5[%mul3A_50] : memref<28800000xf32, #tpu.memory_space<hbm>> -> memref<18000xf32, #tpu.memory_space<hbm>>
        %dma_start3A_53 = tpu.memref_slice %arg5[%mul3A_50] : memref<28800000xf32, #tpu.memory_space<hbm>> -> memref<18000xf32, #tpu.memory_space<hbm>>
        tpu.enqueue_dma source(%arg18 : memref<18000xf32, #tpu.memory_space<vmem>>) target(%dma_start3A_53 : memref<18000xf32, #tpu.memory_space<hbm>>) target_semaphore(%run_scoped3A : memref<!tpu.dma_semaphore, #tpu.memory_space<semaphore_mem>>)
        %dma_wait3A_54 = tpu.memref_slice %arg5[%mul3A_50] : memref<28800000xf32, #tpu.memory_space<hbm>> -> memref<18000xf32, #tpu.memory_space<hbm>>
        %dma_wait3A_55 = tpu.memref_slice %arg5[%mul3A_50] : memref<28800000xf32, #tpu.memory_space<hbm>> -> memref<18000xf32, #tpu.memory_space<hbm>>
        tpu.wait_dma2 semaphore(%run_scoped3A : memref<!tpu.dma_semaphore, #tpu.memory_space<semaphore_mem>>) src(%arg18 : memref<18000xf32, #tpu.memory_space<vmem>>) dst(%dma_wait3A_55 : memref<18000xf32, #tpu.memory_space<hbm>>)
        tpu.yield
      }) : () -> ()
      %scan3A_51 = arith.constant 0 : i32
      scf.yield %scan3A_51 : i32
    }
    %scan3A_10 = arith.constant 50 : i32
    return
  }
}

</mosaic_0001>

<sc_bundles>
// kernel: kernel.3.cloned.1.call-start
scs
__scs_entry_jumppad:
0x0: {  	(pc) =	sbr.rel $0x88, $3  }
0x1: {  	(tag) =	ssettag $0x0;
	lr =	simm.s32 $0x1  }
0x2: {  	[smem:$0x3F9E] =	sst lr;
	_ =	strace $0xD0000000  }
0x3: {  	_ = 	snop  }
0x4: {  	_ = 	snop  }
0x5: {  	_ = 	snop  }
0x6: {  	_ = 	snop  }
0x7: {  	_ = 	snop  }
__scs_overlays_trampoline_lowered:
0x8: {  	[smem:$0x3FAD] =	sst s0  }
0x9: {  	[smem:$0x3FAE] =	sst s1  }
0xa: {  	[smem:$0x3FAF] =	sst s2  }
0xb: {  	[smem:$0x3FB0] =	sst s3  }
0xc: {  	[smem:$0x3FB1] =	sst s4  }
0xd: {  	[smem:$0x3FB2] =	sst s5  }
0xe: {  	[smem:$0x3FB3] =	sst s6  }
0xf: {  	[smem:$0x3FB4] =	sst s7  }
0x10: {  	[smem:$0x3FB5] =	sst s8  }
0x11: {  	[smem:$0x3FB6] =	sst s9;
	s0 =	simm.s32 @!p0 $0x0  }
0x12: {  	s1 =	sld [smem:$0x3F9C];
	s0 =	simm.s32 @p0 $0x1  }
0x13: {  	[smem:$0x3FB7] =	sst s0;
	s0 =	simm.s32 @!p1 $0x0  }
0x14: {  	s2 =	sld [smem:$0x3F9B];
	s0 =	simm.s32 @p1 $0x1  }
0x15: {  	[smem:$0x3FB8] =	sst s0;
	s0 =	simm.s32 @!p2 $0x0  }
0x16: {  	s3 =	sld [smem:$0x3FDB];
	s0 =	simm.s32 @p2 $0x1  }
0x17: {  	s4 =	simm.s32 $0x1BF5;
	[smem:$0x3FBA] =	sst s0  }
0x18: {  	s0 =	sld [smem:$0x3F9D];
	_ =	swait.ge [sflag:s4], $0x0  }
0x19: {  	s7 =	sld [smem:$0x3F9E]  }
0x1a: {  	s8 =	sadd.s32 $0xFFFFE003, lr  }
0x1b: {  	s9 =	sadd.s32 $0xFFFFFEF7, lr;
	s5 =	simm.s32 $0xFFFFFFFF;
	p2 =	slt.u32 s8, $0xFFFFF086  }
0x1c: {  	p1 =	slt.u32 s9, $0xF7A;
	s5 =	simm.s32 @!p2 $0x0  }
0x1d: {  	s5 =	simm.s32 @p1 $0x1;
	p0 =	seq.s32 s7, s2  }
0x1e: {  	s7 =	smul.u32 @!p0 $0xF7A, s2;
	p2 =	seq.s32 @!p0 s5, $0x0  }
0x1f: {  	s9 =	smul.u32 $0xF7A, s1;
	s8 =	simm.s32 @!p0 $0x1BF5;
	p2 =	por !p2, p0  }
0x20: {  	[sflag:s8] =	ssyncset.s32 @!p0 $0xFFFFF086;
	s6 =	sadd.s32 @!p0 s3, s7;
	s7 =	simm.s32 @!p0 $0x108  }
0x21: {  	s3 =	sadd.s32 s3, s9;
	s6 =	sadd.s32 @!p0 $0x88, s6;
	s7 =	simm.s32 @p2 $0x1082  }
0x22: {  	[simem:s7], [sflag:s8] =	dma.local @!p0 [hbm:s6], $0xF7A  }
0x23: {  	s9 =	sor.u32 $0xD0000000, s2;
	s6 =	simm.s32 $0x108;
	_ =	swait.ge @!p0 [sflag:s8], $0x0  }
0x24: {  	s3 =	sadd.s32 $0x88, s3;
	s6 =	simm.s32 @!p1 $0x1082;
	[sflag:s4] =	ssyncset.s32 $0xFFFFF086  }
0x25: {  	[simem:s6], [sflag:s4] =	dma.local [hbm:s3], $0xF7A  }
0x26: {  	[smem:$0x3F9E] =	sst s1;
	(tag) =	ssettag s2;
	_ =	strace s9  }
0x27: {  	s1 =	sld [smem:$0x3FAE]  }
0x28: {  	s2 =	sld [smem:$0x3FAF]  }
0x29: {  	s4 =	sld [smem:$0x3FB1]  }
0x2a: {  	p0 =	seq.s32 s5, $0x0;
	s5 =	sld [smem:$0x3FB2]  }
0x2b: {  	s6 =	sld [smem:$0x3FB3]  }
0x2c: {  	s7 =	sld [smem:$0x3FB4]  }
0x2d: {  	s3 =	simm.s32 $0x108;
	s8 =	sld [smem:$0x3FB5]  }
0x2e: {  	s3 =	simm.s32 @!p0 $0x1082;
	s9 =	sld [smem:$0x3FB6]  }
0x2f: {  	lr =	sadd.s32 s0, s3;
	s0 =	sld [smem:$0x3FAD]  }
0x30: {  	s3 =	sld [smem:$0x3FB0]  }
0x31: {  	[smem:$0x3FB9] =	sst s10  }
0x32: {  	s10 =	sld [smem:$0x3FB7];
	_ =	sdelay $0x3  }
0x33: {  	p0 =	seq.s32 s10, $0x1;
	s10 =	sld [smem:$0x3FB9];
	_ =	sdelay $0x3  }
0x34: {  	[smem:$0x3FB9] =	sst s10  }
0x35: {  	s10 =	sld [smem:$0x3FB8];
	_ =	sdelay $0x3  }
0x36: {  	p1 =	seq.s32 s10, $0x1;
	s10 =	sld [smem:$0x3FB9];
	_ =	sdelay $0x3  }
0x37: {  	[smem:$0x3FB9] =	sst s10  }
0x38: {  	s10 =	sld [smem:$0x3FBA]  }
0x39: {  	_ = 	snop;
	(pc) =	sbr.ind lr, $3  }
0x3a: {  	_ = 	snop  }
0x3b: {  	_ = 	snop  }
0x3c: {  	p2 =	seq.s32 s10, $0x1;
	s10 =	sld [smem:$0x3FB9]  }
0x3d: {  	_ =	shalt  }
0x3e: {  	_ =	shalt  }
0x3f: {  	_ =	shalt  }
0x40: {  	_ =	shalt  }
0x41: {  	_ =	shalt  }
0x42: {  	_ =	shalt  }
0x43: {  	_ =	shalt  }
0x44: {  	_ =	shalt  }
0x45: {  	_ =	shalt  }
0x46: {  	_ =	shalt  }
0x47: {  	_ =	shalt  }
0x48: {  	_ =	shalt  }
0x49: {  	_ =	shalt  }
0x4a: {  	_ =	shalt  }
0x4b: {  	_ =	shalt  }
0x4c: {  	_ =	shalt  }
0x4d: {  	_ =	shalt  }
0x4e: {  	_ =	shalt  }
0x4f: {  	_ =	shalt  }
0x50: {  	_ =	shalt  }
0x51: {  	_ =	shalt  }
0x52: {  	_ =	shalt  }
0x53: {  	_ =	shalt  }
0x54: {  	_ =	shalt  }
0x55: {  	_ =	shalt  }
0x56: {  	_ =	shalt  }
0x57: {  	_ =	shalt  }
0x58: {  	_ =	shalt  }
0x59: {  	_ =	shalt  }
0x5a: {  	_ =	shalt  }
0x5b: {  	_ =	shalt  }
0x5c: {  	_ =	shalt  }
0x5d: {  	_ =	shalt  }
0x5e: {  	_ =	shalt  }
0x5f: {  	_ =	shalt  }
0x60: {  	_ =	shalt  }
0x61: {  	_ =	shalt  }
0x62: {  	_ =	shalt  }
0x63: {  	_ =	shalt  }
0x64: {  	_ =	shalt  }
0x65: {  	_ =	shalt  }
0x66: {  	_ =	shalt  }
0x67: {  	_ =	shalt  }
0x68: {  	_ =	shalt  }
0x69: {  	_ =	shalt  }
0x6a: {  	_ =	shalt  }
0x6b: {  	_ =	shalt  }
0x6c: {  	_ =	shalt  }
0x6d: {  	_ =	shalt  }
0x6e: {  	_ =	shalt  }
0x6f: {  	_ =	shalt  }
0x70: {  	_ =	shalt  }
0x71: {  	_ =	shalt  }
0x72: {  	_ =	shalt  }
0x73: {  	_ =	shalt  }
0x74: {  	_ =	shalt  }
0x75: {  	_ =	shalt  }
0x76: {  	_ =	shalt  }
0x77: {  	_ =	shalt  }
0x78: {  	_ =	shalt  }
0x79: {  	_ =	shalt  }
0x7a: {  	_ =	shalt  }
0x7b: {  	_ =	shalt  }
0x7c: {  	_ =	shalt  }
0x7d: {  	_ =	shalt  }
0x7e: {  	_ =	shalt  }
0x7f: {  	_ =	shalt  }
0x80: {  	_ =	shalt  }
0x81: {  	_ =	shalt  }
0x82: {  	_ =	shalt  }
0x83: {  	_ =	shalt  }
0x84: {  	_ =	shalt  }
0x85: {  	_ =	shalt  }
0x86: {  	_ =	shalt  }
0x87: {  	_ =	shalt  }
.Lfunc_end0:
.L_simem_size_0:
called_computation.1_lowered:
.L_overlay_start_0:
0x88: {  	s2 =	sld [smem:$0x3FD9]  }
0x89: {  	s3 =	sld [smem:$0x3FFE];
	_ =	sdelay $0x1  }
0x8a: {  	s1 =	srdreg.scid  }
0x8b: {  	s0 =	sand.u32 $0x1, s1  }
0x8c: {  	s17 =	sshll.u32 s0, $0xA;
	s2 =	sadd.s32 s3, s2  }
0x8d: {  	s2 =	sadd.s32 s2, s17  }
0x8e: {  	[smem:$0x3FC5] =	sst s2  }
0x8f: {  	_ = 	snop  }
0x90: {  	s2 =	sld [smem:$0x3FD0];
	(tm) =	ssettm $0x1  }
0x91: {  	s18 =	sld [smem:$0x3FFB];
	_ =	sdelay $0x3  }
0x92: {  	_ =	strace s18  }
0x93: {  	s3 =	sld [smem:$0x3FFC];
	_ =	sdelay $0x3  }
0x94: {  	_ =	strace s3  }
0x95: {  	s3 =	sld [smem:$0x3FFD];
	_ =	sdelay $0x3  }
0x96: {  	_ =	strace s3  }
0x97: {  	_ =	strace $0x8FFFFFFF  }
0x98: {  	s19 =	sld [smem:$0x3FDB];
	_ =	sdelay $0x1  }
0x99: {  	s4 =	simm.s32 $_scs_section_size  }
0x9a: {  	s5 =	simm.s32 $_size__tile_overlayer_lowered;
	s6 =	simm.s32 $_tile_overlayer_lowered  }
0x9b: {  	s22 =	simm.s32 $0x1BFF;
	s21 =	sshll.u32 s6, $0x1;
	s3 =	sadd.s32 s4, s19  }
0x9c: {  	s7 =	simm.s32 $0x0;
	s20 =	sshll.u32 s5, $0x1;
	s5 =	sadd.s32 s21, s3  }
0x9d: {  	[timem:s7], [sflag:s22] =	dma.local [hbm:s5], s20  }
0x9e: {  	_ =	swait.ge [sflag:s22], s20  }
0x9f: {  	s4 =	ssub.s32 $0x0, s20;
	[sflag:s22] =	ssyncset.done $0x0  }
0xa0: {  	[sflag:s22] =	ssyncadd.s32 s4;
	_ =	sdelay $0x1  }
0xa1: {  	s23 =	simm.s32 $0x1B8B  }
0xa2: {  	_ =	swait.ge [sflag:s23], $0x1  }
0xa3: {  	[sflag:s23] =	ssyncset.done $0x0  }
0xa4: {  	s25 =	simm.s32 $0x1B8E;
	s24 =	sld [smem:$0x3FFE];
	[sflag:s23] =	ssyncadd.s32 $0xFFFFFFFF  }
0xa5: {  	s26 =	simm.s32 $execute0_lowered;
	[smem:$0x3FD2] =	sst s25  }
0xa6: {  	s5 =	sshll.u32 s26, $0x1;
	_ =	strace $0x80000046;
	[dreg:$0x1] =	wrdreg $0xFFFFFFFF  }
0xa7: {  	s28 =	simm.s32 $_size_execute0_lowered;
	s3 =	sadd.s32 s3, s5;
	[dreg:$0x0] =	wrdreg $0x0  }
0xa8: {  	s5 =	sshll.u32 s28, $0x1;
	[dreg:$0x2] =	wrdreg s3  }
0xa9: {  	[dreg:$0x3] =	wrdreg s5  }
0xaa: {  	[dreg:$0x4] =	wrdreg $0xC0  }
0xab: {  	_ =	task [dreg:s7], $0x5FFFF  }
0xac: {  	[dreg:$0x1] =	wrdreg $0xFFFFFFFF  }
0xad: {  	[dreg:$0x0] =	wrdreg $0x60  }
0xae: {  	[dreg:$0x2] =	wrdreg s24  }
0xaf: {  	[dreg:$0x3] =	wrdreg s2  }
0xb0: {  	[dreg:$0x4] =	wrdreg $0x0  }
0xb1: {  	[dreg:$0x5] =	wrdreg $0x18700  }
0xb2: {  	[dreg:$0x6] =	wrdreg $0x30E00  }
0xb3: {  	[dreg:$0x7] =	wrdreg $0x9  }
0xb4: {  	_ =	task.clear_ibuf [dreg:s7], $0x8FFFF;
	_ =	strace $0x90000046  }
0xb5: {  	s29 =	simm.s32 $0x9;
	_ =	strace $0x80000048  }
0xb6: {  	_ =	swait.ge [sflag:s29], $0x1  }
0xb7: {  	[sflag:s29] =	ssyncadd.s32 $0xFFFFFFFF  }
0xb8: {  	_ =	strace $0x90000048  }
0xb9: {  	_ =	sfence  }
0xba: {  	s30 =	sld [smem:$0x0];
	_ =	sdelay $0x2  }
0xbb: {  	s31 =	sshll.u32 s1, $0xD;
	s1 =	sshrl.u32 s1, $0x2  }
0xbc: {  	s3 =	sand.u32 $0x4000, s31;
	s1 =	sadd.s32 s1, s30  }
0xbd: {  	s0 =	sor.u32 s3, s0;
	s1 =	sshll.u32 s1, $0x11  }
0xbe: {  	s0 =	sor.u32 s1, s0  }
0xbf: {  	s0 =	sadd.s32 $0x8F2B, s0  }
0xc0: {  	[sflag:s0] =	ssyncadd.remote.s32 $0x1  }
0xc1: {  	_ =	sfence.sel $0xFFFF  }
0xc2: {  	[dreg:$0x0] =	wrdreg $0xFFFFFFFF;
	(pc) =	sbr.abs _section_cstart, $3  }
0xc3: {  	[dreg:$0x1] =	wrdreg $0xFFFFFFFF  }
0xc4: {  	_ =	task.clear_ibuf [dreg:s7], $0x2FFFF;
	_ =	strace $0x9FFFFFFF  }
0xc5: {  	(tm) =	ssettm $0x7FFFFFFF  }
tec
execute0_lowered:
.L_overlay_start_1:
0x0: {  	(tag) =	ssettag $0x1  }
0x1: {  	s0 =	rddreg [dreg:$0x0]  }
0x2: {  	s1 =	rddreg [dreg:$0x1]  }
0x3: {  	s2 =	rddreg [dreg:$0x2]  }
0x4: {  	s3 =	rddreg [dreg:$0x3]  }
0x5: {  	s4 =	rddreg [dreg:$0x4];
	s5 =	simm.s32 $0x0  }
0x6: {  	[smem:$0x7FF] =	sst s5;
	s7 =	sadd.s32 $0x800, s0  }
0x7: {  	s25 =	sadd.s32 $0x11C4, s0;
	_ =	strace $0x80000047;
	[dreg:$0x6] =	wrdreg s7  }
0x8: {  	s26 =	sadd.s32 $0x4E20, s2;
	[dreg:$0x7] =	wrdreg s25  }
0x9: {  	s28 =	sadd.s32 $0x1B88, s0;
	[dreg:$0x8] =	wrdreg s26  }
0xa: {  	s29 =	sadd.s32 $0x254C, s0;
	[dreg:$0x9] =	wrdreg s28  }
0xb: {  	s30 =	sadd.s32 $0x2F10, s0;
	[dreg:$0xa] =	wrdreg s29  }
0xc: {  	s31 =	sadd.s32 $0x38D4, s0;
	[dreg:$0xb] =	wrdreg s30  }
0xd: {  	s13 =	sadd.s32 $0x4C5C, s0;
	[dreg:$0xc] =	wrdreg s31  }
0xe: {  	s14 =	sadd.s32 $0x5620, s0;
	[dreg:$0xe] =	wrdreg s13  }
0xf: {  	s15 =	sadd.s32 $0x5FE4, s0;
	[dreg:$0xf] =	wrdreg s14  }
0x10: {  	s16 =	sadd.s32 $0x69A8, s0;
	[dreg:$0x10] =	wrdreg s15  }
0x11: {  	s17 =	sadd.s32 $0x736C, s0;
	[dreg:$0x11] =	wrdreg s16  }
0x12: {  	s6 =	srdreg.scid;
	s18 =	sadd.s32 $0x7D30, s0;
	[dreg:$0x12] =	wrdreg s17  }
0x13: {  	s11 =	stileid.u32;
	s19 =	sadd.s32 $0x86F4, s0;
	[dreg:$0x13] =	wrdreg s18  }
0x14: {  	s6 =	sand.u32 $0x1, s6;
	s20 =	sadd.s32 $0x9C40, s2;
	[dreg:$0x14] =	wrdreg s19  }
0x15: {  	s10 =	sshll.u32 s11, $0x1;
	s21 =	sadd.s32 $0xEA60, s2;
	[dreg:$0x16] =	wrdreg s20  }
0x16: {  	p0 =	sne.s32 s11, $0x0;
	s22 =	sadd.s32 $0x13880, s2;
	[dreg:$0x17] =	wrdreg s21  }
0x17: {  	s23 =	sadd.s32 $0x4E20, s3;
	s24 =	sadd.s32 $0x9C40, s3;
	[dreg:$0x18] =	wrdreg s22  }
0x18: {  	s8 =	ssub.s32 $0x2, s6;
	s7 =	sadd.s32 $0x9C00, s0;
	[dreg:$0x19] =	wrdreg s23  }
0x19: {  	s6 =	sor.u32 s6, s10;
	[dreg:$0x1a] =	wrdreg s24;
	s25 =	sadd.s32 $0xEA60, s3  }
0x1a: {  	s26 =	sadd.s32 $0x13880, s3;
	s28 =	sadd.s32 $0x4E20, s4;
	s29 =	sadd.s32 $0x9C40, s4  }
0x1b: {  	s30 =	sadd.s32 $0xEA60, s4;
	s31 =	sadd.s32 $0x13880, s4;
	s15 =	simm.s32 $0xE750  }
0x1c: {  	s16 =	simm.s32 $0x2;
	s17 =	simm.s32 $0x4950;
	[dreg:$0x1b] =	wrdreg s25  }
0x1d: {  	s18 =	simm.s32 $0x5150;
	s19 =	simm.s32 $0x7D0;
	[dreg:$0x1c] =	wrdreg s26  }
0x1e: {  	s20 =	simm.s32 $0x8950;
	s21 =	simm.s32 $0x1;
	[dreg:$0x1d] =	wrdreg s28  }
0x1f: {  	s22 =	simm.s32 $0xA0D0;
	s9 =	sshrl.u32 s8, $0x1;
	[dreg:$0x1e] =	wrdreg s29  }
0x20: {  	s23 =	simm.s32 $0x0;
	[dreg:$0x1f] =	wrdreg s30;
	s12 =	ssub.s32 s8, s9  }
0x21: {  	[smem:$0x7FD] =	sst s31;
	s10 =	smax.u32 s12, $0x1;
	s12 =	sadd.s32 $0x4298, s0  }
0x22: {  	s8 =	sadd.s32 $0x31A1200, s0;
	s0 =	sadd.s32 $0x90B8, s0;
	[dreg:$0xd] =	wrdreg s12  }
0x23: {  	v0 =	vlaneseq.u32;
	v1 =	vimm.f32 $1.000000000e+00;
	s24 =	simm.s32 $0x0;
	s9 =	smul.u32 $0x186A0, s6;
	[dreg:$0x15] =	wrdreg s0  }
.LBB2_1:
.Ltmp0:
0x24: {  	(pc) =	sbr.rel @p0 .LBB2_3-.Ltmp0, $1  }
0x25: {  	_ =	sdelay $0x3  }
0x26: {  	s0 =	rddreg [dreg:$0x6]  }
0x27: {  	[tilespmem:s15], [sflag:$0x2] =	stream.linear.gather [hbm4b:s0+s5], $0x4E20, $0x38;
	[tilespmem:$0x135D0] =	vst v63  }
0x28: {  	_ =	swait.ge [sflag:s16], $0x4E20  }
0x29: {  	[sflag:s16] =	ssyncset.done $0x0  }
0x2a: {  	[sflag:s16] =	ssyncadd.s32 $0xFFFFB1E0  }
0x2b: {  	[spmem:s2] =	stream.linear.scatter [tilespmem:s15], [sflag:$0x2], $0x4E20, $0x38;
	[tilespmem:$0x135D0] =	vst v63  }
0x2c: {  	_ =	swait.ge [sflag:s16], $0x4E20  }
0x2d: {  	[sflag:s16] =	ssyncset.done $0x0  }
0x2e: {  	s28 =	rddreg [dreg:$0x7];
	[sflag:s16] =	ssyncadd.s32 $0xFFFFB1E0  }
0x2f: {  	[tilespmem:s15], [sflag:$0x2] =	stream.linear.gather [hbm4b:s28+s5], $0x4E20, $0x38;
	[tilespmem:$0x135D0] =	vst v63  }
0x30: {  	_ =	swait.ge [sflag:s16], $0x4E20  }
0x31: {  	[sflag:s16] =	ssyncset.done $0x0  }
0x32: {  	s29 =	rddreg [dreg:$0x8];
	[sflag:s16] =	ssyncadd.s32 $0xFFFFB1E0  }
0x33: {  	[spmem:s29] =	stream.linear.scatter [tilespmem:s15], [sflag:$0x2], $0x4E20, $0x38;
	[tilespmem:$0x135D0] =	vst v63  }
0x34: {  	_ =	swait.ge [sflag:s16], $0x4E20  }
0x35: {  	[sflag:s16] =	ssyncset.done $0x0  }
0x36: {  	s30 =	rddreg [dreg:$0x9];
	[sflag:s16] =	ssyncadd.s32 $0xFFFFB1E0  }
0x37: {  	[tilespmem:s15], [sflag:$0x2] =	stream.linear.gather [hbm4b:s30+s5], $0x4E20, $0x38;
	[tilespmem:$0x135D0] =	vst v63  }
0x38: {  	_ =	swait.ge [sflag:s16], $0x4E20  }
0x39: {  	[sflag:s16] =	ssyncset.done $0x0  }
0x3a: {  	s31 =	rddreg [dreg:$0x16];
	[sflag:s16] =	ssyncadd.s32 $0xFFFFB1E0  }
0x3b: {  	[spmem:s31] =	stream.linear.scatter [tilespmem:s15], [sflag:$0x2], $0x4E20, $0x38;
	[tilespmem:$0x135D0] =	vst v63  }
0x3c: {  	_ =	swait.ge [sflag:s16], $0x4E20  }
0x3d: {  	[sflag:s16] =	ssyncset.done $0x0  }
0x3e: {  	s6 =	rddreg [dreg:$0xa];
	[sflag:s16] =	ssyncadd.s32 $0xFFFFB1E0  }
0x3f: {  	[tilespmem:s15], [sflag:$0x2] =	stream.linear.gather [hbm4b:s6+s5], $0x4E20, $0x38;
	[tilespmem:$0x135D0] =	vst v63  }
0x40: {  	_ =	swait.ge [sflag:s16], $0x4E20  }
0x41: {  	[sflag:s16] =	ssyncset.done $0x0  }
0x42: {  	s11 =	rddreg [dreg:$0x17];
	[sflag:s16] =	ssyncadd.s32 $0xFFFFB1E0  }
0x43: {  	[spmem:s11] =	stream.linear.scatter [tilespmem:s15], [sflag:$0x2], $0x4E20, $0x38;
	[tilespmem:$0x135D0] =	vst v63  }
0x44: {  	_ =	swait.ge [sflag:s16], $0x4E20  }
0x45: {  	[sflag:s16] =	ssyncset.done $0x0  }
0x46: {  	s12 =	rddreg [dreg:$0xb];
	[sflag:s16] =	ssyncadd.s32 $0xFFFFB1E0  }
0x47: {  	[tilespmem:s15], [sflag:$0x2] =	stream.linear.gather [hbm4b:s12+s5], $0x4E20, $0x38;
	[tilespmem:$0x135D0] =	vst v63  }
0x48: {  	_ =	swait.ge [sflag:s16], $0x4E20  }
0x49: {  	[sflag:s16] =	ssyncset.done $0x0  }
0x4a: {  	s13 =	rddreg [dreg:$0x18];
	[sflag:s16] =	ssyncadd.s32 $0xFFFFB1E0  }
0x4b: {  	[spmem:s13] =	stream.linear.scatter [tilespmem:s15], [sflag:$0x2], $0x4E20, $0x38;
	[tilespmem:$0x135D0] =	vst v63  }
0x4c: {  	_ =	swait.ge [sflag:s16], $0x4E20  }
0x4d: {  	[sflag:s16] =	ssyncset.done $0x0  }
0x4e: {  	s14 =	rddreg [dreg:$0xc];
	[sflag:s16] =	ssyncadd.s32 $0xFFFFB1E0  }
0x4f: {  	[tilespmem:s15], [sflag:$0x2] =	stream.linear.gather [hbm4b:s14+s5], $0x4E20, $0x38;
	[tilespmem:$0x135D0] =	vst v63  }
0x50: {  	_ =	swait.ge [sflag:s16], $0x4E20  }
0x51: {  	[sflag:s16] =	ssyncset.done $0x0  }
0x52: {  	[sflag:s16] =	ssyncadd.s32 $0xFFFFB1E0  }
0x53: {  	[spmem:s3] =	stream.linear.scatter [tilespmem:s15], [sflag:$0x2], $0x4E20, $0x38;
	[tilespmem:$0x135D0] =	vst v63  }
0x54: {  	_ =	swait.ge [sflag:s16], $0x4E20  }
0x55: {  	[sflag:s16] =	ssyncset.done $0x0  }
0x56: {  	s25 =	rddreg [dreg:$0xd];
	[sflag:s16] =	ssyncadd.s32 $0xFFFFB1E0  }
0x57: {  	[tilespmem:s15], [sflag:$0x2] =	stream.linear.gather [hbm4b:s25+s5], $0x4E20, $0x38;
	[tilespmem:$0x135D0] =	vst v63  }
0x58: {  	_ =	swait.ge [sflag:s16], $0x4E20  }
0x59: {  	[sflag:s16] =	ssyncset.done $0x0  }
0x5a: {  	s26 =	rddreg [dreg:$0x19];
	[sflag:s16] =	ssyncadd.s32 $0xFFFFB1E0  }
0x5b: {  	[spmem:s26] =	stream.linear.scatter [tilespmem:s15], [sflag:$0x2], $0x4E20, $0x38;
	[tilespmem:$0x135D0] =	vst v63  }
0x5c: {  	_ =	swait.ge [sflag:s16], $0x4E20  }
0x5d: {  	[sflag:s16] =	ssyncset.done $0x0  }
0x5e: {  	s28 =	rddreg [dreg:$0xe];
	[sflag:s16] =	ssyncadd.s32 $0xFFFFB1E0  }
0x5f: {  	[tilespmem:s15], [sflag:$0x2] =	stream.linear.gather [hbm4b:s28+s5], $0x4E20, $0x38;
	[tilespmem:$0x135D0] =	vst v63  }
0x60: {  	_ =	swait.ge [sflag:s16], $0x4E20  }
0x61: {  	[sflag:s16] =	ssyncset.done $0x0  }
0x62: {  	s29 =	rddreg [dreg:$0x1a];
	[sflag:s16] =	ssyncadd.s32 $0xFFFFB1E0  }
0x63: {  	[spmem:s29] =	stream.linear.scatter [tilespmem:s15], [sflag:$0x2], $0x4E20, $0x38;
	[tilespmem:$0x135D0] =	vst v63  }
0x64: {  	_ =	swait.ge [sflag:s16], $0x4E20  }
0x65: {  	[sflag:s16] =	ssyncset.done $0x0  }
0x66: {  	s30 =	rddreg [dreg:$0xf];
	[sflag:s16] =	ssyncadd.s32 $0xFFFFB1E0  }
0x67: {  	[tilespmem:s15], [sflag:$0x2] =	stream.linear.gather [hbm4b:s30+s5], $0x4E20, $0x38;
	[tilespmem:$0x135D0] =	vst v63  }
0x68: {  	_ =	swait.ge [sflag:s16], $0x4E20  }
0x69: {  	[sflag:s16] =	ssyncset.done $0x0  }
0x6a: {  	s31 =	rddreg [dreg:$0x1b];
	[sflag:s16] =	ssyncadd.s32 $0xFFFFB1E0  }
0x6b: {  	[spmem:s31] =	stream.linear.scatter [tilespmem:s15], [sflag:$0x2], $0x4E20, $0x38;
	[tilespmem:$0x135D0] =	vst v63  }
0x6c: {  	_ =	swait.ge [sflag:s16], $0x4E20  }
0x6d: {  	[sflag:s16] =	ssyncset.done $0x0  }
0x6e: {  	s6 =	rddreg [dreg:$0x10];
	[sflag:s16] =	ssyncadd.s32 $0xFFFFB1E0  }
0x6f: {  	[tilespmem:s15], [sflag:$0x2] =	stream.linear.gather [hbm4b:s6+s5], $0x4E20, $0x38;
	[tilespmem:$0x135D0] =	vst v63  }
0x70: {  	_ =	swait.ge [sflag:s16], $0x4E20  }
0x71: {  	[sflag:s16] =	ssyncset.done $0x0  }
0x72: {  	s11 =	rddreg [dreg:$0x1c];
	[sflag:s16] =	ssyncadd.s32 $0xFFFFB1E0  }
0x73: {  	[spmem:s11] =	stream.linear.scatter [tilespmem:s15], [sflag:$0x2], $0x4E20, $0x38;
	[tilespmem:$0x135D0] =	vst v63  }
0x74: {  	_ =	swait.ge [sflag:s16], $0x4E20  }
0x75: {  	[sflag:s16] =	ssyncset.done $0x0  }
0x76: {  	s12 =	rddreg [dreg:$0x11];
	[sflag:s16] =	ssyncadd.s32 $0xFFFFB1E0  }
0x77: {  	[tilespmem:s15], [sflag:$0x2] =	stream.linear.gather [hbm4b:s12+s5], $0x4E20, $0x38;
	[tilespmem:$0x135D0] =	vst v63  }
0x78: {  	_ =	swait.ge [sflag:s16], $0x4E20  }
0x79: {  	[sflag:s16] =	ssyncset.done $0x0  }
0x7a: {  	[sflag:s16] =	ssyncadd.s32 $0xFFFFB1E0  }
0x7b: {  	[spmem:s4] =	stream.linear.scatter [tilespmem:s15], [sflag:$0x2], $0x4E20, $0x38;
	[tilespmem:$0x135D0] =	vst v63  }
0x7c: {  	_ =	swait.ge [sflag:s16], $0x4E20  }
0x7d: {  	[sflag:s16] =	ssyncset.done $0x0  }
0x7e: {  	s13 =	rddreg [dreg:$0x12];
	[sflag:s16] =	ssyncadd.s32 $0xFFFFB1E0  }
0x7f: {  	[tilespmem:s15], [sflag:$0x2] =	stream.linear.gather [hbm4b:s13+s5], $0x4E20, $0x38;
	[tilespmem:$0x135D0] =	vst v63  }
0x80: {  	_ =	swait.ge [sflag:s16], $0x4E20  }
0x81: {  	[sflag:s16] =	ssyncset.done $0x0  }
0x82: {  	s14 =	rddreg [dreg:$0x1d];
	[sflag:s16] =	ssyncadd.s32 $0xFFFFB1E0  }
0x83: {  	[spmem:s14] =	stream.linear.scatter [tilespmem:s15], [sflag:$0x2], $0x4E20, $0x38;
	[tilespmem:$0x135D0] =	vst v63  }
0x84: {  	_ =	swait.ge [sflag:s16], $0x4E20  }
0x85: {  	[sflag:s16] =	ssyncset.done $0x0  }
0x86: {  	s25 =	rddreg [dreg:$0x13];
	[sflag:s16] =	ssyncadd.s32 $0xFFFFB1E0  }
0x87: {  	[tilespmem:s15], [sflag:$0x2] =	stream.linear.gather [hbm4b:s25+s5], $0x4E20, $0x38;
	[tilespmem:$0x135D0] =	vst v63  }
0x88: {  	_ =	swait.ge [sflag:s16], $0x4E20  }
0x89: {  	[sflag:s16] =	ssyncset.done $0x0  }
0x8a: {  	s26 =	rddreg [dreg:$0x1e];
	[sflag:s16] =	ssyncadd.s32 $0xFFFFB1E0  }
0x8b: {  	[spmem:s26] =	stream.linear.scatter [tilespmem:s15], [sflag:$0x2], $0x4E20, $0x38;
	[tilespmem:$0x135D0] =	vst v63  }
0x8c: {  	_ =	swait.ge [sflag:s16], $0x4E20  }
0x8d: {  	[sflag:s16] =	ssyncset.done $0x0  }
0x8e: {  	s28 =	rddreg [dreg:$0x14];
	[sflag:s16] =	ssyncadd.s32 $0xFFFFB1E0  }
0x8f: {  	[tilespmem:s15], [sflag:$0x2] =	stream.linear.gather [hbm4b:s28+s5], $0x4E20, $0x38;
	[tilespmem:$0x135D0] =	vst v63  }
0x90: {  	_ =	swait.ge [sflag:s16], $0x4E20  }
0x91: {  	[sflag:s16] =	ssyncset.done $0x0  }
0x92: {  	s29 =	rddreg [dreg:$0x1f];
	[sflag:s16] =	ssyncadd.s32 $0xFFFFB1E0  }
0x93: {  	[spmem:s29] =	stream.linear.scatter [tilespmem:s15], [sflag:$0x2], $0x4E20, $0x38;
	[tilespmem:$0x135D0] =	vst v63  }
0x94: {  	_ =	swait.ge [sflag:s16], $0x4E20  }
0x95: {  	[sflag:s16] =	ssyncset.done $0x0  }
0x96: {  	s30 =	rddreg [dreg:$0x15];
	[sflag:s16] =	ssyncadd.s32 $0xFFFFB1E0  }
0x97: {  	[tilespmem:s15], [sflag:$0x2] =	stream.linear.gather [hbm4b:s30+s5], $0x4E20, $0x38;
	[tilespmem:$0x135D0] =	vst v63  }
0x98: {  	_ =	swait.ge [sflag:s16], $0x4E20  }
0x99: {  	s31 =	sld [smem:$0x7FD]  }
0x9a: {  	[sflag:s16] =	ssyncset.done $0x0  }
0x9b: {  	[sflag:s16] =	ssyncadd.s32 $0xFFFFB1E0  }
0x9c: {  	[spmem:s31] =	stream.linear.scatter [tilespmem:s15], [sflag:$0x2], $0x4E20, $0x38;
	[tilespmem:$0x135D0] =	vst v63  }
0x9d: {  	_ =	swait.ge [sflag:s16], $0x4E20  }
0x9e: {  	[sflag:s16] =	ssyncset.done $0x0  }
0x9f: {  	[sflag:s16] =	ssyncadd.s32 $0xFFFFB1E0  }
.LBB2_3:
0xa0: {  	[bflag:$0x0] =	sbarrier.arrive $0xFFFF;
	s25 =	simm.s32 $0x0  }
.LBB2_4:
0xa1: {  	s0 =	smul.u32 $0x7D0, s25;
	_ =	sdelay $0x1  }
0xa2: {  	s28 =	sadd.s32 s9, s0  }
0xa3: {  	s26 =	sshrl.u32 s28, $0x3  }
0xa4: {  	s13 =	sadd.s32 s7, s26  }
0xa5: {  	[tilespmem:s17], [sflag:$0x2] =	stream.linear.gather [hbm4b:s13+s24], $0x7D0, $0x38;
	[tilespmem:$0x135D0] =	vst v63  }
0xa6: {  	_ =	swait.ge [sflag:s16], $0x7D0  }
0xa7: {  	[sflag:s16] =	ssyncset.done $0x0  }
0xa8: {  	s0 =	sadd.s32 $0x61A80, s13;
	[sflag:s16] =	ssyncadd.s32 $0xFFFFF830  }
0xa9: {  	[tilespmem:s18], [sflag:$0x2] =	stream.linear.gather [hbm4b:s0+s24], $0x7D0, $0x38;
	[tilespmem:$0x135D0] =	vst v63  }
0xaa: {  	_ =	swait.ge [sflag:s16], $0x7D0  }
0xab: {  	[sflag:s16] =	ssyncset.done $0x0  }
0xac: {  	s30 =	simm.s32 $0x5950;
	[sflag:s16] =	ssyncadd.s32 $0xFFFFF830  }
0xad: {  	[tilespmem:s30], [sflag:$0x1] =	stream.indirect.gather [spmem:s2], $0x1, s17, s19, $0xb8;
	[tilespmem:$0x135D0] =	vst v63  }
0xae: {  	s29 =	simm.s32 $0x6150  }
0xaf: {  	[tilespmem:s29], [sflag:$0x1] =	stream.indirect.gather [spmem:s3], $0x1, s17, s19, $0xb8;
	[tilespmem:$0x135D0] =	vst v63  }
0xb0: {  	s14 =	simm.s32 $0x6950  }
0xb1: {  	[tilespmem:s14], [sflag:$0x1] =	stream.indirect.gather [spmem:s4], $0x1, s17, s19, $0xb8;
	[tilespmem:$0x135D0] =	vst v63  }
0xb2: {  	s6 =	simm.s32 $0x7150  }
0xb3: {  	[tilespmem:s6], [sflag:$0x1] =	stream.indirect.gather [spmem:s2], $0x1, s18, s19, $0xb8;
	[tilespmem:$0x135D0] =	vst v63  }
0xb4: {  	s11 =	simm.s32 $0x7950;
	s13 =	smul.u32 $0x3, s28  }
0xb5: {  	[tilespmem:s11], [sflag:$0x1] =	stream.indirect.gather [spmem:s3], $0x1, s18, s19, $0xb8;
	[tilespmem:$0x135D0] =	vst v63  }
0xb6: {  	s12 =	simm.s32 $0x8150;
	s13 =	sshrl.u32 s13, $0x3  }
0xb7: {  	[tilespmem:s12], [sflag:$0x1] =	stream.indirect.gather [spmem:s4], $0x1, s18, s19, $0xb8;
	[tilespmem:$0x135D0] =	vst v63  }
0xb8: {  	s13 =	sadd.s32 s8, s13  }
0xb9: {  	[tilespmem:s20], [sflag:$0x2] =	stream.linear.gather [hbm4b:s13+s24], $0x1770, $0x38;
	[tilespmem:$0x135D0] =	vst v63  }
0xba: {  	_ =	swait.ge [sflag:s16], $0x1770  }
0xbb: {  	[sflag:s16] =	ssyncset.done $0x0  }
0xbc: {  	[sflag:s16] =	ssyncadd.s32 $0xFFFFE890  }
0xbd: {  	_ =	swait.ge [sflag:s21], $0x7D0  }
0xbe: {  	[sflag:s21] =	ssyncset.done $0x0  }
0xbf: {  	[sflag:s21] =	ssyncadd.s32 $0xFFFFF830  }
0xc0: {  	_ =	swait.ge [sflag:s21], $0x7D0  }
0xc1: {  	[sflag:s21] =	ssyncset.done $0x0  }
0xc2: {  	[sflag:s21] =	ssyncadd.s32 $0xFFFFF830  }
0xc3: {  	_ =	swait.ge [sflag:s21], $0x7D0  }
0xc4: {  	[sflag:s21] =	ssyncset.done $0x0  }
0xc5: {  	[sflag:s21] =	ssyncadd.s32 $0xFFFFF830  }
0xc6: {  	_ =	swait.ge [sflag:s21], $0x7D0  }
0xc7: {  	[sflag:s21] =	ssyncset.done $0x0  }
0xc8: {  	[sflag:s21] =	ssyncadd.s32 $0xFFFFF830  }
0xc9: {  	_ =	swait.ge [sflag:s21], $0x7D0  }
0xca: {  	[sflag:s21] =	ssyncset.done $0x0  }
0xcb: {  	v2 =	vor.u32 s24, v0;
	[sflag:s21] =	ssyncadd.s32 $0xFFFFF830  }
0xcc: {  	v3 =	vmul.u32 $0x3, v2;
	_ =	swait.ge [sflag:s21], $0x7D0  }
0xcd: {  	[sflag:s21] =	ssyncset.done $0x0  }
0xce: {  	v4 =	vadd.s32 $0x1, v3;
	[sflag:s21] =	ssyncadd.s32 $0xFFFFF830  }
0xcf: {  	v5 =	vld [tilespmem:s12+$0x0]  }
0xd0: {  	v7 =	vadd.s32 $0x2, v3;
	v6 =	vld [tilespmem:s30+$0x0]  }
0xd1: {  	v8 =	vld [tilespmem:s6+$0x0]  }
0xd2: {  	v3 =	vld.idx.msk [tilespmem:v3+s20+$0x0], $0xffff  }
0xd3: {  	v4 =	vld.idx.msk [tilespmem:v4+s20+$0x0], $0xffff  }
0xd4: {  	v9 =	vld [tilespmem:s11+$0x0]  }
0xd5: {  	v7 =	vld.idx.msk [tilespmem:v7+s20+$0x0], $0xffff  }
0xd6: {  	v10 =	vld [tilespmem:s29+$0x0];
	_ =	sdelay $0x1  }
0xd7: {  	v11 =	vld [tilespmem:s14+$0x0]  }
0xd8: {  	v3 =	vadd.f32 v3, v8;
	v4 =	vadd.f32 v4, v9  }
0xd9: {  	v5 =	vadd.f32 v7, v5  }
0xda: {  	v3 =	vsub.f32 v3, v6;
	v4 =	vsub.f32 v4, v10;
	_ =	sdelay $0x1  }
0xdb: {  	v5 =	vsub.f32 v5, v11;
	v6 =	vmul.f32 v3, v3;
	v7 =	vmul.f32 v4, v4;
	_ =	sdelay $0x1  }
0xdc: {  	v6 =	vadd.f32 v7, v6;
	v7 =	vmul.f32 v5, v5;
	_ =	sdelay $0x1  }
0xdd: {  	v6 =	vadd.f32 v7, v6;
	_ =	sdelay $0x1  }
0xde: {  	v6 =	vmax.f32 v6, $1.000000020e-24  }
0xdf: {  	v7 =	vshrl.u32 v6, $0x1;
	v6 =	vmul.f32 $5.000000000e-01, v6  }
0xe0: {  	v7 =	vsub.s32 $0x5F3759DF, v7  }
0xe1: {  	v55 =	vmul.f32 v7, v6;
	_ =	sdelay $0x1  }
0xe2: {  	v8 =	vmul.f32 v7, v55;
	_ =	sdelay $0x1  }
0xe3: {  	v8 =	vsub.f32 $1.500000000e+00, v8;
	_ =	sdelay $0x1  }
0xe4: {  	v7 =	vmul.f32 v7, v8;
	_ =	sdelay $0x1  }
0xe5: {  	v8 =	vmul.f32 v7, v6;
	_ =	sdelay $0x1  }
0xe6: {  	v8 =	vmul.f32 v8, v7;
	_ =	sdelay $0x1  }
0xe7: {  	v8 =	vsub.f32 $1.500000000e+00, v8;
	_ =	sdelay $0x1  }
0xe8: {  	v7 =	vmul.f32 v8, v7;
	_ =	sdelay $0x1  }
0xe9: {  	v6 =	vmul.f32 v7, v6;
	_ =	sdelay $0x1  }
0xea: {  	v6 =	vmul.f32 v6, v7;
	_ =	sdelay $0x1  }
0xeb: {  	v6 =	vsub.f32 $1.500000000e+00, v6;
	_ =	sdelay $0x1  }
0xec: {  	v6 =	vmul.f32 v6, v7;
	_ =	sdelay $0x1  }
0xed: {  	v7 =	vmul.u32 $0x9, v2;
	v2 =	vmul.f32 v6, v4;
	v3 =	vmul.f32 v6, v3;
	_ =	sdelay $0x1  }
0xee: {  	v4 =	vadd.s32 $0x1, v7;
	v56 =	vmul.f32 v2, v2;
	v57 =	vmul.f32 v3, v3  }
0xef: {  	v5 =	vmul.f32 v6, v5;
	v6 =	vadd.s32 $0x2, v7  }
0xf0: {  	v58 =	vadd.s32 $0x3, v7;
	v59 =	vmul.f32 $1.732050780e+00, v2;
	v12 =	vadd.f32 v57, v56  }
0xf1: {  	v13 =	vadd.s32 $0x4, v7;
	v14 =	vmul.f32 $1.732050780e+00, v5;
	v2 =	vmul.f32 $3.872983460e+00, v2  }
0xf2: {  	v15 =	vadd.s32 $0x5, v7;
	v16 =	vmul.f32 v5, v5;
	[tilespmem:v7+s22+$0x0] =	vst.idx.msk $0xffff, v1;
	v12 =	vmul.f32 $5.000000000e-01, v12  }
0xf3: {  	v17 =	vmul.f32 $1.732050780e+00, v3;
	[tilespmem:v4+s22+$0x0] =	vst.idx.msk $0xffff, v59;
	v4 =	vadd.s32 $0x6, v7  }
0xf4: {  	v60 =	vmul.f32 v2, v3;
	[tilespmem:v6+s22+$0x0] =	vst.idx.msk $0xffff, v14;
	v6 =	vsub.f32 v16, v12  }
0xf5: {  	v2 =	vmul.f32 v2, v5;
	[tilespmem:v58+s22+$0x0] =	vst.idx.msk $0xffff, v17  }
0xf6: {  	v61 =	vadd.s32 $0x7, v7;
	v62 =	vmul.f32 $3.872983460e+00, v5;
	[tilespmem:v13+s22+$0x0] =	vst.idx.msk $0xffff, v60;
	v5 =	vmul.f32 $2.236068010e+00, v6  }
0xf7: {  	[tilespmem:v15+s22+$0x0] =	vst.idx.msk $0xffff, v2  }
0xf8: {  	[tilespmem:v4+s22+$0x0] =	vst.idx.msk $0xffff, v5;
	v4 =	vadd.s32 $0x8, v7  }
0xf9: {  	s14 =	simm.s32 $0x10;
	v63 =	vmul.f32 v62, v3;
	v6 =	vsub.f32 v57, v56  }
0xfa: {  	s31 =	simm.s32 $0x6960;
	s0 =	simm.s32 $0x8160;
	v2 =	vor.u32 s14, v0  }
0xfb: {  	s12 =	simm.s32 $0x20;
	s11 =	simm.s32 $0x7160;
	s6 =	simm.s32 $0x7960;
	v3 =	vmul.u32 $0x3, v2;
	v5 =	vmul.f32 $1.936491730e+00, v6;
	[tilespmem:v61+s22+$0x0] =	vst.idx.msk $0xffff, v63  }
.LBB2_5:
0xfc: {  	s30 =	sadd.s32 $0x10, s30  }
0xfd: {  	v6 =	vadd.s32 $0x1, v3;
	[tilespmem:v4+s22+$0x0] =	vst.idx.msk $0xffff, v5;
	s29 =	sadd.s32 $0x10, s29;
	s13 =	smov.u32 s12;
	s14 =	sadd.s32 $0x10, s12  }
0xfe: {  	p1 =	sne.s32 s12, $0x7C0;
	v4 =	vld [tilespmem:s0+$0x0]  }
0xff: {  	v7 =	vadd.s32 $0x2, v3;
	v5 =	vld [tilespmem:s30+$0x0]  }
0x100: {  	v8 =	vld [tilespmem:s11+$0x0]  }
0x101: {  	v3 =	vld.idx.msk [tilespmem:v3+s20+$0x0], $0xffff  }
0x102: {  	v2 =	vmul.u32 $0x9, v2;
	v6 =	vld.idx.msk [tilespmem:v6+s20+$0x0], $0xffff  }
0x103: {  	v9 =	vld [tilespmem:s6+$0x0]  }
0x104: {  	v7 =	vld.idx.msk [tilespmem:v7+s20+$0x0], $0xffff  }
0x105: {  	v10 =	vld [tilespmem:s29+$0x0];
	_ =	sdelay $0x1  }
0x106: {  	v3 =	vadd.f32 v3, v8;
	v11 =	vld [tilespmem:s31+$0x0]  }
0x107: {  	v6 =	vadd.f32 v6, v9;
	[tilespmem:v2+s22+$0x0] =	vst.idx.msk $0xffff, v1  }
0x108: {  	v3 =	vsub.f32 v3, v5  }
0x109: {  	v4 =	vadd.f32 v7, v4;
	v5 =	vsub.f32 v6, v10;
	_ =	sdelay $0x1  }
0x10a: {  	v6 =	vmul.f32 v3, v3;
	v4 =	vsub.f32 v4, v11;
	v7 =	vmul.f32 v5, v5;
	_ =	sdelay $0x1  }
0x10b: {  	v6 =	vadd.f32 v7, v6;
	v7 =	vmul.f32 v4, v4;
	_ =	sdelay $0x1  }
0x10c: {  	v6 =	vadd.f32 v7, v6;
	_ =	sdelay $0x1  }
0x10d: {  	v6 =	vmax.f32 v6, $1.000000020e-24  }
0x10e: {  	v7 =	vshrl.u32 v6, $0x1;
	v6 =	vmul.f32 $5.000000000e-01, v6  }
0x10f: {  	v7 =	vsub.s32 $0x5F3759DF, v7  }
0x110: {  	v8 =	vmul.f32 v7, v6;
	_ =	sdelay $0x1  }
0x111: {  	v8 =	vmul.f32 v7, v8;
	_ =	sdelay $0x1  }
0x112: {  	v8 =	vsub.f32 $1.500000000e+00, v8;
	_ =	sdelay $0x1  }
0x113: {  	v7 =	vmul.f32 v7, v8;
	_ =	sdelay $0x1  }
0x114: {  	v8 =	vmul.f32 v7, v6;
	_ =	sdelay $0x1  }
0x115: {  	v8 =	vmul.f32 v8, v7;
	_ =	sdelay $0x1  }
0x116: {  	v8 =	vsub.f32 $1.500000000e+00, v8;
	_ =	sdelay $0x1  }
0x117: {  	v7 =	vmul.f32 v8, v7;
	_ =	sdelay $0x1  }
0x118: {  	v6 =	vmul.f32 v7, v6;
	_ =	sdelay $0x1  }
0x119: {  	v6 =	vmul.f32 v6, v7;
	_ =	sdelay $0x1  }
0x11a: {  	v6 =	vsub.f32 $1.500000000e+00, v6;
	_ =	sdelay $0x1  }
0x11b: {  	v6 =	vmul.f32 v6, v7;
	_ =	sdelay $0x1  }
0x11c: {  	v7 =	vadd.s32 $0x1, v2;
	v5 =	vmul.f32 v6, v5;
	v3 =	vmul.f32 v6, v3  }
0x11d: {  	v8 =	vadd.s32 $0x5, v2;
	v4 =	vmul.f32 v6, v4;
	v6 =	vadd.s32 $0x2, v2  }
0x11e: {  	v11 =	vadd.s32 $0x3, v2;
	v9 =	vmul.f32 v5, v5;
	v10 =	vmul.f32 v3, v3  }
0x11f: {  	v14 =	vadd.s32 $0x4, v2;
	v12 =	vmul.f32 $1.732050780e+00, v5;
	v13 =	vmul.f32 $3.872983460e+00, v4  }
0x120: {  	v15 =	vmul.f32 $1.732050780e+00, v4;
	v5 =	vmul.f32 $3.872983460e+00, v5;
	v16 =	vadd.f32 v10, v9  }
0x121: {  	v17 =	vmul.f32 v4, v4;
	v18 =	vmul.f32 $1.732050780e+00, v3;
	v9 =	vsub.f32 v10, v9;
	[tilespmem:v7+s22+$0x0] =	vst.idx.msk $0xffff, v12  }
0x122: {  	v7 =	vmul.f32 v5, v3;
	v10 =	vmul.f32 $5.000000000e-01, v16;
	[tilespmem:v6+s22+$0x0] =	vst.idx.msk $0xffff, v15  }
0x123: {  	v4 =	vmul.f32 v5, v4;
	v6 =	vmul.f32 v13, v3;
	[tilespmem:v11+s22+$0x0] =	vst.idx.msk $0xffff, v18;
	v11 =	vadd.s32 $0x6, v2  }
0x124: {  	v3 =	vsub.f32 v17, v10;
	[tilespmem:v14+s22+$0x0] =	vst.idx.msk $0xffff, v7;
	v7 =	vadd.s32 $0x7, v2  }
.Ltmp1:
0x125: {  	[tilespmem:v8+s22+$0x0] =	vst.idx.msk $0xffff, v4;
	v4 =	vadd.s32 $0x8, v2;
	(pc) =	sbr.rel @p1 .LBB2_5-.Ltmp1, $4  }
0x126: {  	v8 =	vmul.f32 $2.236068010e+00, v3  }
0x127: {  	v2 =	vor.u32 s13, v0  }
0x128: {  	s0 =	sadd.s32 $0x10, s0;
	s12 =	smov.u32 s14;
	v5 =	vmul.f32 $1.936491730e+00, v9;
	v3 =	vmul.u32 $0x3, v2;
	[tilespmem:v11+s22+$0x0] =	vst.idx.msk $0xffff, v8  }
0x129: {  	s11 =	sadd.s32 $0x10, s11;
	s6 =	sadd.s32 $0x10, s6;
	s31 =	sadd.s32 $0x10, s31;
	[tilespmem:v7+s22+$0x0] =	vst.idx.msk $0xffff, v6  }
0x12a: {  	_ =	sdelay $0x3  }
0x12b: {  	[tilespmem:v4+s22+$0x0] =	vst.idx.msk $0xffff, v5  }
0x12c: {  	v6 =	vadd.s32 $0x1, v3;
	s12 =	sadd.s32 $0x10, s30;
	v4 =	vld [tilespmem:s0+$0x0]  }
0x12d: {  	v5 =	vld [tilespmem:s12+$0x0]  }
0x12e: {  	v7 =	vadd.s32 $0x2, v3;
	v8 =	vld [tilespmem:s11+$0x0]  }
0x12f: {  	v3 =	vld.idx.msk [tilespmem:v3+s20+$0x0], $0xffff  }
0x130: {  	v9 =	vld [tilespmem:s6+$0x0]  }
0x131: {  	s30 =	sadd.s32 $0x10, s29;
	v6 =	vld.idx.msk [tilespmem:v6+s20+$0x0], $0xffff  }
0x132: {  	v10 =	vld [tilespmem:s30+$0x0]  }
0x133: {  	v7 =	vld.idx.msk [tilespmem:v7+s20+$0x0], $0xffff;
	_ =	sdelay $0x1  }
0x134: {  	v11 =	vld [tilespmem:s31+$0x0];
	v3 =	vadd.f32 v3, v8  }
0x135: {  	v6 =	vadd.f32 v6, v9  }
0x136: {  	v3 =	vsub.f32 v3, v5  }
0x137: {  	v4 =	vadd.f32 v7, v4;
	v45 =	vsub.f32 v6, v10;
	_ =	sdelay $0x1  }
0x138: {  	v46 =	vmul.f32 v3, v3;
	v4 =	vsub.f32 v4, v11;
	v47 =	vmul.f32 v45, v45;
	_ =	sdelay $0x1  }
0x139: {  	v48 =	vmul.f32 v4, v4;
	v6 =	vadd.f32 v47, v46;
	_ =	sdelay $0x1  }
0x13a: {  	v6 =	vadd.f32 v48, v6;
	_ =	sdelay $0x1  }
0x13b: {  	v6 =	vmax.f32 v6, $1.000000020e-24  }
0x13c: {  	v49 =	vshrl.u32 v6, $0x1;
	v6 =	vmul.f32 $5.000000000e-01, v6  }
0x13d: {  	v7 =	vsub.s32 $0x5F3759DF, v49  }
0x13e: {  	v50 =	vmul.f32 v7, v6;
	_ =	sdelay $0x1  }
0x13f: {  	v8 =	vmul.f32 v7, v50;
	_ =	sdelay $0x1  }
0x140: {  	v8 =	vsub.f32 $1.500000000e+00, v8;
	_ =	sdelay $0x1  }
0x141: {  	v7 =	vmul.f32 v7, v8;
	_ =	sdelay $0x1  }
0x142: {  	v8 =	vmul.f32 v7, v6;
	_ =	sdelay $0x1  }
0x143: {  	v8 =	vmul.f32 v8, v7;
	_ =	sdelay $0x1  }
0x144: {  	v8 =	vsub.f32 $1.500000000e+00, v8;
	_ =	sdelay $0x1  }
0x145: {  	v7 =	vmul.f32 v8, v7;
	_ =	sdelay $0x1  }
0x146: {  	v6 =	vmul.f32 v7, v6;
	_ =	sdelay $0x1  }
0x147: {  	v6 =	vmul.f32 v6, v7;
	_ =	sdelay $0x1  }
0x148: {  	v6 =	vsub.f32 $1.500000000e+00, v6;
	_ =	sdelay $0x1  }
0x149: {  	v6 =	vmul.f32 v6, v7;
	_ =	sdelay $0x1  }
0x14a: {  	v2 =	vmul.u32 $0x9, v2;
	v5 =	vmul.f32 v6, v45;
	v3 =	vmul.f32 v6, v3;
	_ =	sdelay $0x1  }
0x14b: {  	v51 =	vadd.s32 $0x1, v2;
	v52 =	vmul.f32 v5, v5;
	v53 =	vmul.f32 v3, v3  }
0x14c: {  	v54 =	vadd.s32 $0x2, v2;
	v4 =	vmul.f32 v6, v4  }
0x14d: {  	v55 =	vadd.s32 $0x3, v2;
	v56 =	vmul.f32 $1.732050780e+00, v5;
	v12 =	vadd.f32 v53, v52  }
0x14e: {  	v13 =	vadd.s32 $0x4, v2;
	v14 =	vmul.f32 $1.732050780e+00, v4;
	v5 =	vmul.f32 $3.872983460e+00, v5  }
0x14f: {  	v15 =	vadd.s32 $0x5, v2;
	[tilespmem:v2+s22+$0x0] =	vst.idx.msk $0xffff, v1;
	v16 =	vmul.f32 v4, v4;
	v12 =	vmul.f32 $5.000000000e-01, v12  }
0x150: {  	v57 =	vadd.s32 $0x6, v2;
	v17 =	vmul.f32 $1.732050780e+00, v3;
	[tilespmem:v51+s22+$0x0] =	vst.idx.msk $0xffff, v56  }
0x151: {  	v60 =	vadd.s32 $0x7, v2;
	v58 =	vmul.f32 v5, v3;
	[tilespmem:v54+s22+$0x0] =	vst.idx.msk $0xffff, v14;
	v59 =	vsub.f32 v16, v12  }
0x152: {  	v2 =	vadd.s32 $0x8, v2;
	v61 =	vmul.f32 $3.872983460e+00, v4;
	v4 =	vmul.f32 v5, v4;
	[tilespmem:v55+s22+$0x0] =	vst.idx.msk $0xffff, v17  }
0x153: {  	v62 =	vsub.f32 v53, v52;
	[tilespmem:v13+s22+$0x0] =	vst.idx.msk $0xffff, v58;
	v6 =	vmul.f32 $2.236068010e+00, v59  }
0x154: {  	v3 =	vmul.f32 v61, v3;
	[tilespmem:v15+s22+$0x0] =	vst.idx.msk $0xffff, v4  }
0x155: {  	s25 =	sadd.s32 $0x1, s25;
	v63 =	vmul.f32 $1.936491730e+00, v62;
	[tilespmem:v57+s22+$0x0] =	vst.idx.msk $0xffff, v6  }
0x156: {  	s31 =	sadd.s32 s1, s28;
	p1 =	sne.s32 s25, $0x32;
	[tilespmem:v60+s22+$0x0] =	vst.idx.msk $0xffff, v3  }
.Ltmp2:
0x157: {  	s0 =	sadd.s32 s26, s31;
	[tilespmem:v2+s22+$0x0] =	vst.idx.msk $0xffff, v63;
	(pc) =	sbr.rel @p1 .LBB2_4-.Ltmp2, $4  }
0x158: {  	[hbm4b:s0+s5] =	stream.linear.scatter [tilespmem:s22], [sflag:$0x2], $0x4650, $0x38;
	[tilespmem:$0x135D0] =	vst v63  }
0x159: {  	_ =	swait.ge [sflag:s16], $0x4650  }
0x15a: {  	[sflag:s16] =	ssyncset.done $0x0  }
0x15b: {  	[sflag:s16] =	ssyncadd.s32 $0xFFFFB9B0  }
0x15c: {  	s23 =	sadd.s32 $0x1, s23  }
0x15d: {  	p1 =	sne.s32 s23, s10  }
.Ltmp3:
0x15e: {  	_ = 	snop;
	(pc) =	sbr.rel @p1 .LBB2_1-.Ltmp3, $1  }
0x15f: {  	_ =	sdelay $0x3  }
0x160: {  	_ =	sfence.sel $0x180000  }
0x161: {  	[bflag:$0x0] =	sbarrier.arrive $0xFFFF  }
0x162: {  	_ =	strace $0x90000047  }
0x163: {  	[bflag:$0x2] =	sbarrier.arrive $0xFFFF  }
0x164: {  	s0 =	rddreg [dreg:$0x5]  }
0x165: {  	s0 =	sadd.s32 @!p0 $0x100000, s0  }
0x166: {  	[sflag:s0] =	ssyncadd.tile.s32 @!p0 $0x1;
	_ =	shalt  }
.Lfunc_end2:
_tile_overlayer_lowered:
.L_overlay_start_2:
0x167: {  	(tag) =	ssettag $0x2  }
0x168: {  	s0 =	rddreg [dreg:$0x0];
	s2 =	stileid.u32  }
0x169: {  	s1 =	rddreg [dreg:$0x1];
	p0 =	sne.s32 s2, $0x0  }
0x16a: {  	s3 =	rddreg [dreg:$0x2];
	[bflag:$0x3] =	sbarrier.arrive $0xFFFF;
	s2 =	simm.s32 @!p0 $0x1C02  }
0x16b: {  	[timem:s3], [sflag:s2] =	dma.local @!p0 [hbm:s0], s1  }
0x16c: {  	s0 =	simm.s32 @!p0 $0x2  }
0x16d: {  	_ =	swait.ge @!p0 [sflag:s0], s1  }
0x16e: {  	s1 =	ssub.s32 @!p0 $0x0, s1;
	[sflag:s0] =	ssyncset.done @!p0 $0x0  }
0x16f: {  	[sflag:s0] =	ssyncadd.s32 @!p0 s1  }
0x170: {  	[bflag:$0x3] =	sbarrier.arrive $0xFFFF  }
0x171: {  	_ =	shalt  }

// kernel: sparse-core-data-format-call.cloned.1.call-start
scs
called_computation_lowered:
.L_overlay_start_0:
0x0: {  	s2 =	sld [smem:$0x3FD9]  }
0x1: {  	s3 =	sld [smem:$0x3FFE];
	_ =	sdelay $0x1  }
0x2: {  	s1 =	srdreg.scid  }
0x3: {  	s0 =	sand.u32 $0x1, s1  }
0x4: {  	s18 =	sshll.u32 s0, $0xA;
	s2 =	sadd.s32 s3, s2  }
0x5: {  	s2 =	sadd.s32 s2, s18  }
0x6: {  	[smem:$0x3FC5] =	sst s2  }
0x7: {  	_ = 	snop  }
0x8: {  	s2 =	sld [smem:$0x3FD0];
	(tm) =	ssettm $0x1  }
0x9: {  	s19 =	sld [smem:$0x3FFB];
	_ =	sdelay $0x3  }
0xa: {  	_ =	strace s19  }
0xb: {  	s3 =	sld [smem:$0x3FFC];
	_ =	sdelay $0x3  }
0xc: {  	_ =	strace s3  }
0xd: {  	s3 =	sld [smem:$0x3FFD];
	_ =	sdelay $0x3  }
0xe: {  	_ =	strace s3  }
0xf: {  	_ =	strace $0x8FFFFFFF  }
0x10: {  	s20 =	sld [smem:$0x3FDB];
	_ =	sdelay $0x1  }
0x11: {  	s4 =	simm.s32 $_scs_section_size  }
0x12: {  	s5 =	simm.s32 $_size__tile_overlayer_lowered;
	s6 =	simm.s32 $_tile_overlayer_lowered  }
0x13: {  	s23 =	simm.s32 $0x1BFF;
	s22 =	sshll.u32 s6, $0x1;
	s3 =	sadd.s32 s4, s20  }
0x14: {  	s7 =	simm.s32 $0x0;
	s21 =	sshll.u32 s5, $0x1;
	s5 =	sadd.s32 s22, s3  }
0x15: {  	[timem:s7], [sflag:s23] =	dma.local [hbm:s5], s21  }
0x16: {  	_ =	swait.ge [sflag:s23], s21  }
0x17: {  	s4 =	ssub.s32 $0x0, s21;
	[sflag:s23] =	ssyncset.done $0x0  }
0x18: {  	[sflag:s23] =	ssyncadd.s32 s4;
	_ =	sdelay $0x1  }
0x19: {  	s24 =	simm.s32 $0x1B8B  }
0x1a: {  	_ =	swait.ge [sflag:s24], $0x1  }
0x1b: {  	[sflag:s24] =	ssyncset.done $0x0  }
0x1c: {  	s26 =	simm.s32 $0x1B8E;
	s25 =	sld [smem:$0x3FFE];
	[sflag:s24] =	ssyncadd.s32 $0xFFFFFFFF  }
0x1d: {  	s27 =	simm.s32 $execute0_lowered;
	[smem:$0x3FD2] =	sst s26  }
0x1e: {  	s5 =	sshll.u32 s27, $0x1;
	_ =	strace $0x80000049;
	[dreg:$0x1] =	wrdreg $0xFFFFFFFF  }
0x1f: {  	s28 =	simm.s32 $_size_execute0_lowered;
	s3 =	sadd.s32 s3, s5;
	[dreg:$0x0] =	wrdreg $0x0  }
0x20: {  	s5 =	sshll.u32 s28, $0x1;
	[dreg:$0x2] =	wrdreg s3  }
0x21: {  	[dreg:$0x3] =	wrdreg s5  }
0x22: {  	[dreg:$0x4] =	wrdreg $0xC0  }
0x23: {  	_ =	task [dreg:s7], $0x5FFFF  }
0x24: {  	[dreg:$0x1] =	wrdreg $0xFFFFFFFF  }
0x25: {  	[dreg:$0x0] =	wrdreg $0x60  }
0x26: {  	[dreg:$0x2] =	wrdreg s25  }
0x27: {  	[dreg:$0x3] =	wrdreg s2  }
0x28: {  	[dreg:$0x4] =	wrdreg $0x9  }
0x29: {  	_ =	task.clear_ibuf [dreg:s7], $0x5FFFF;
	_ =	strace $0x90000049  }
0x2a: {  	s29 =	simm.s32 $0x9;
	_ =	strace $0x8000004B  }
0x2b: {  	_ =	swait.ge [sflag:s29], $0x1  }
0x2c: {  	[sflag:s29] =	ssyncadd.s32 $0xFFFFFFFF  }
0x2d: {  	_ =	strace $0x9000004B  }
0x2e: {  	_ =	sfence  }
0x2f: {  	s30 =	sld [smem:$0x0];
	_ =	sdelay $0x2  }
0x30: {  	s31 =	sshll.u32 s1, $0xD;
	s1 =	sshrl.u32 s1, $0x2  }
0x31: {  	s3 =	sand.u32 $0x4000, s31;
	s1 =	sadd.s32 s1, s30  }
0x32: {  	s0 =	sor.u32 s3, s0;
	s1 =	sshll.u32 s1, $0x11  }
0x33: {  	s0 =	sor.u32 s1, s0  }
0x34: {  	s0 =	sadd.s32 $0x8F2B, s0  }
0x35: {  	[sflag:s0] =	ssyncadd.remote.s32 $0x1  }
0x36: {  	_ =	sfence.sel $0xFFFF  }
0x37: {  	[dreg:$0x0] =	wrdreg $0xFFFFFFFF;
	(pc) =	sbr.abs _section_cstart, $3  }
0x38: {  	[dreg:$0x1] =	wrdreg $0xFFFFFFFF  }
0x39: {  	_ =	task.clear_ibuf [dreg:s7], $0x2FFFF;
	_ =	strace $0x9FFFFFFF  }
0x3a: {  	(tm) =	ssettm $0x7FFFFFFF  }
0x3b: {  	_ =	shalt  }
tec
execute0_lowered:
.L_overlay_start_1:
0x0: {  	(tag) =	ssettag $0x1  }
0x1: {  	s0 =	srdreg.scid  }
0x2: {  	s5 =	rddreg [dreg:$0x0];
	s1 =	sshll.u32 s0, $0x4  }
0x3: {  	s2 =	rddreg [dreg:$0x1];
	s0 =	stileid.u32;
	s1 =	sand.u32 $0x10, s1  }
0x4: {  	s4 =	simm.s32 $0x1;
	s8 =	simm.s32 $0x2;
	s1 =	sor.u32 s0, s1  }
0x5: {  	s12 =	simm.s32 $0x0;
	s9 =	simm.s32 $0x0;
	s3 =	sshll.u32 s1, $0x7  }
0x6: {  	s11 =	simm.s32 $0x0;
	s5 =	sadd.s32 $0x800, s5;
	s6 =	ssub.s32 $0x30D400, s3  }
.Ltmp0:
0x7: {  	s1 =	rddreg [dreg:$0x2];
	s7 =	sand.u32 $0xF80, s6;
	(pc) =	sbr.rel .LBB1_1-.Ltmp0, $4  }
0x8: {  	_ =	strace $0x8000004A;
	p0 =	sne.s32 s7, $0x0;
	s7 =	simm.s32 $0x1  }
0x9: {  	[sflag:s4] =	ssyncpa.u1 $0x0;
	s6 =	sshrl.u32 s6, $0xC;
	s7 =	simm.s32 @!p0 $0x0  }
0xa: {  	s10 =	smov.u32 s3;
	[sflag:s8] =	ssyncpa.u1 $0x0;
	s6 =	sadd.s32 s7, s6  }
0xb: {  	s8 =	simm.s32 $0x186A000;
	p0 =	por $0x0, $0x0;
	s7 =	sadd.s32 $0x1, s6  }
.LBB1_4:
0xc: {  	s15 =	sshll.u32 s9, $0x3  }
0xd: {  	p1 =	sgt.s32 s9, $0x30D380;
	s16 =	sshrl.u32 s15, $0xA  }
0xe: {  	s17 =	smov.u32 s9;
	s18 =	sshra.s32 s9, $0x1F;
	s16 =	smulhi.u32 $0x53E2D7, s16  }
0xf: {  	s19 =	sand.u32 $0x7F, s9;
	s17 =	simm.s32 @!p1 $0x30D380;
	s18 =	sand.u32 s18, s9  }
0x10: {  	s15 =	sand.u32 $0xFFFFFC00, s15;
	s17 =	ssub.s32 s17, s18;
	s16 =	sshrl.u32 s16, $0x2  }
0x11: {  	s17 =	sadd.s32 $0xFFCF2C80, s17;
	s26 =	smul.u32 $0x30D400, s16  }
0x12: {  	s15 =	sor.u32 s19, s15;
	s27 =	sshll.u32 s17, $0x6;
	s16 =	sand.u32 $0xF, s16  }
0x13: {  	s28 =	ssub.s32 $0x2000, s27;
	s16 =	smul.u32 $0x61A80, s16;
	s15 =	ssub.s32 s15, s26  }
0x14: {  	p1 =	sgt.s32 s17, $0x7F;
	s17 =	sshrl.u32 s28, $0x2;
	s29 =	sand.u32 $0x7, s15  }
0x15: {  	s15 =	sshrl.u32 s15, $0x3;
	s16 =	sadd.s32 s2, s16;
	s18 =	sshll.u32 s29, $0x12  }
0x16: {  	[tilespmem:s14+$0x0 ss:$0x81] =	vst.msk $0xffff, v0;
	s17 =	simm.s32 @p1 $0x0;
	s30 =	sadd.s32 s15, s16;
	s31 =	sor.u32 $0x400, s18  }
0x17: {  	[hbm4b:s30+s31] =	stream.strided.scatter [tilespmem:s13], [sflag:$0x2], s17, s8, s31, $0x20;
	[tilespmem:$0x4040] =	vst v63  }
.LBB1_5:
0x18: {  	p1 =	slt.u32 s11, $0x2  }
0x19: {  	p2 =	sgt.s32 @!p1 s12, $0x30D380  }
0x1a: {  	s13 =	smov.u32 s12;
	s14 =	sshra.s32 @!p1 s12, $0x1F;
	p2 =	por !p2, p1  }
0x1b: {  	s12 =	sand.u32 @!p1 s14, s12;
	s13 =	simm.s32 @p2 $0x30D380  }
0x1c: {  	s12 =	ssub.s32 @!p1 s13, s12  }
0x1d: {  	s12 =	sadd.s32 @!p1 $0xFFCF2C80, s12  }
0x1e: {  	s13 =	sshll.u32 @!p1 s12, $0x6  }
0x1f: {  	p2 =	sgt.s32 @!p1 s12, $0x7F;
	s12 =	ssub.s32 @!p1 $0x2000, s13  }
0x20: {  	s14 =	sadd.s32 $0x1000, s10;
	p2 =	por !p2, p1;
	s12 =	sshrl.u32 @!p1 s12, $0x2  }
0x21: {  	s12 =	simm.s32 @!p2 $0x0;
	p2 =	sgt.s32 s14, $0x30D3FF  }
0x22: {  	s14 =	smov.u32 @p2 s3;
	p2 =	sne.s32 s11, s7  }
.Ltmp1:
0x23: {  	_ = 	snop;
	(pc) =	sbr.rel @!p2 .LBB1_6-.Ltmp1, $4  }
0x24: {  	s13 =	simm.s32 @!p1 $0x2  }
0x25: {  	p0 =	por !p0, !p0;
	_ =	swait.ge @!p1 [sflag:s13], s12;
	s15 =	ssub.s32 @!p1 $0x0, s12  }
0x26: {  	s12 =	smov.u32 s9;
	s11 =	sadd.s32 $0x1, s11;
	[sflag:s13] =	ssyncset.done @!p1 $0x0  }
0x27: {  	s9 =	smov.u32 s10;
	s10 =	smov.u32 s14;
	[sflag:s13] =	ssyncadd.s32 @!p1 s15  }
.LBB1_1:
0x28: {  	p1 =	sge.u32 s11, s6  }
0x29: {  	s13 =	sand.u32 @!p1 $0x1FFFFFF, s10  }
0x2a: {  	s14 =	smulhi.u32 @!p1 $0x14F8B59, s13;
	_ =	sdelay $0x1  }
0x2b: {  	s14 =	sshrl.u32 @!p1 s14, $0xE  }
0x2c: {  	s14 =	smul.u32 @!p1 $0x30D400, s14;
	_ =	sdelay $0x1  }
0x2d: {  	s31 =	sadd.s32 $0xFFFFFFFF, s11;
	s15 =	sxor.u32 @!p1 $0xFFFFFFFF, s11;
	s13 =	ssub.s32 @!p1 s13, s14  }
0x2e: {  	s16 =	simm.s32 @!p1 $0x80;
	s15 =	sshll.u32 @!p1 s15, $0xC;
	s13 =	sshll.u32 @!p1 s13, $0x4  }
0x2f: {  	s14 =	sand.u32 @!p1 $0x1000, s15;
	s15 =	simm.s32 @!p1 $0x20;
	s13 =	sadd.s32 @!p1 s5, s13  }
0x30: {  	[tilespmem:s14], [sflag:$0x1] =	stream.strided.gather @!p1 [hbm4b:s13+s15], $0x1000, s16, s15, $0x38;
	[tilespmem:$0x4040] =	vst v63  }
0x31: {  	p1 =	sge.u32 s31, s6  }
.Ltmp2:
0x32: {  	_ = 	snop;
	(pc) =	sbr.rel @p1 .LBB1_5-.Ltmp2, $1  }
0x33: {  	_ =	sdelay $0x3  }
0x34: {  	s13 =	simm.s32 $0x1  }
0x35: {  	_ =	swait.ge [sflag:s4], $0x1000;
	s13 =	simm.s32 @!p0 $0x0  }
0x36: {  	[sflag:s4] =	ssyncset.done $0x0;
	s14 =	sshll.u32 s13, $0xC  }
0x37: {  	[sflag:s4] =	ssyncadd.s32 $0xFFFFF000;
	s17 =	sor.u32 $0x10, s14  }
0x38: {  	s13 =	smul.u32 $0x4080, s13;
	v1 =	vld [tilespmem:s17+$0x0]  }
0x39: {  	s30 =	sand.u32 $0x1, s11;
	v0 =	vld [tilespmem:s17+$0xFFFFFFF0]  }
0x3a: {  	s14 =	smul.u32 $0x4080, s30;
	s13 =	sshrl.u32 s13, $0x2  }
0x3b: {  	s15 =	sor.u32 $0x2000, s13  }
0x3c: {  	s31 =	sshrl.u32 s14, $0x2;
	s14 =	sadd.s32 $0x0, s15  }
0x3d: {  	s16 =	simm.s32 $0x4;
	s17 =	sadd.s32 $0x20, s17;
	s13 =	sor.u32 $0x2000, s31;
	[tilespmem:s14+$0x810 ss:$0x81] =	vst.msk $0xffff, v1  }
.LBB1_3:
0x3e: {  	v1 =	vld [tilespmem:s17+$0x0];
	p1 =	sne.s32 s16, $0x1FC;
	[tilespmem:s14+$0x0 ss:$0x81] =	vst.msk $0xffff, v0;
	s14 =	smov.u32 s16;
	s16 =	sadd.s32 $0x4, s16  }
.Ltmp3:
0x3f: {  	v0 =	vld [tilespmem:s17+$0xFFFFFFF0];
	(pc) =	sbr.rel @p1 .LBB1_3-.Ltmp3, $4  }
0x40: {  	_ = 	snop  }
0x41: {  	s14 =	sshra.s32 s14, $0x2  }
0x42: {  	s14 =	sadd.s32 s14, s15  }
0x43: {  	s17 =	sadd.s32 $0x20, s17;
	[tilespmem:s14+$0x810 ss:$0x81] =	vst.msk $0xffff, v1  }
.Ltmp4:
0x44: {  	_ = 	snop;
	(pc) =	sbr.rel .LBB1_4-.Ltmp4, $1  }
0x45: {  	_ =	sdelay $0x3  }
.LBB1_6:
0x46: {  	_ =	sfence.sel $0x180000  }
0x47: {  	s2 =	simm.s32 $0x1;
	[bflag:$0x0] =	sbarrier.arrive $0xFFFF  }
0x48: {  	s31 =	simm.s32 $0x2;
	[sflag:s2] =	ssyncpa.u1 $0x1  }
0x49: {  	[sflag:s31] =	ssyncpa.u1 $0x1  }
0x4a: {  	p0 =	sne.s32 s0, $0x0;
	_ =	strace $0x9000004A  }
0x4b: {  	s0 =	sadd.s32 @!p0 $0x100000, s1;
	[bflag:$0x2] =	sbarrier.arrive $0xFFFF  }
0x4c: {  	[sflag:s0] =	ssyncadd.tile.s32 @!p0 $0x1;
	_ =	shalt  }
.Lfunc_end1:
_tile_overlayer_lowered:
.L_overlay_start_2:
0x4d: {  	(tag) =	ssettag $0x2  }
0x4e: {  	s0 =	rddreg [dreg:$0x0];
	s2 =	stileid.u32  }
0x4f: {  	s1 =	rddreg [dreg:$0x1];
	p0 =	sne.s32 s2, $0x0  }
0x50: {  	s3 =	rddreg [dreg:$0x2];
	[bflag:$0x3] =	sbarrier.arrive $0xFFFF;
	s2 =	simm.s32 @!p0 $0x1C01  }
0x51: {  	[timem:s3], [sflag:s2] =	dma.local @!p0 [hbm:s0], s1  }
0x52: {  	s0 =	simm.s32 @!p0 $0x1  }
0x53: {  	_ =	swait.ge @!p0 [sflag:s0], s1  }
0x54: {  	s1 =	ssub.s32 @!p0 $0x0, s1;
	[sflag:s0] =	ssyncset.done @!p0 $0x0  }
0x55: {  	[sflag:s0] =	ssyncadd.s32 @!p0 s1  }
0x56: {  	[bflag:$0x3] =	sbarrier.arrive $0xFFFF  }
0x57: {  	_ =	shalt  }

</sc_bundles>
